<compile_context>
chip_gen: v7x
topology: tpu7x:2x2x1
jax: 0.10.2.dev20260603
libtpu: 0.0.44.dev20260713+nightly
codegen_flags: <defaults>
</compile_context>

<pallas_src>
import functools

import jax
import jax.numpy as jnp
from jax import lax
from jax.experimental import pallas as pl
from jax.experimental.pallas import tpu as pltpu


def _fps_kernel(xyz_ref, out_ref, dist_ref):
    _, N, B = xyz_ref.shape
    S = out_ref.shape[1]
    dist_ref[...] = jnp.full((N, B), 1e10, jnp.float32)
    row = lax.broadcasted_iota(jnp.int32, (N, B), 0)
    X = xyz_ref[0]
    Y = xyz_ref[1]
    Z = xyz_ref[2]

    def step(t, far):
        onehot = row == far
        cx = jnp.sum(jnp.where(onehot, X, 0.0), axis=0, keepdims=True)
        cy = jnp.sum(jnp.where(onehot, Y, 0.0), axis=0, keepdims=True)
        cz = jnp.sum(jnp.where(onehot, Z, 0.0), axis=0, keepdims=True)
        out_ref[0, pl.ds(t, 1), :] = cx
        out_ref[1, pl.ds(t, 1), :] = cy
        out_ref[2, pl.ds(t, 1), :] = cz
        dx = X - cx
        dy = Y - cy
        dz = Z - cz
        d = jnp.minimum(dist_ref[...], (dx * dx + dy * dy) + dz * dz)
        dist_ref[...] = d
        dmax = jnp.max(d, axis=0, keepdims=True)
        far = jnp.min(jnp.where(d == dmax, row, N), axis=0, keepdims=True)
        return far

    lax.fori_loop(0, S, step, jnp.zeros((1, B), jnp.int32))


def _fps_new_xyz(xyz_t, npoint, interpret=False):
    B, N, _ = xyz_t.shape
    xT = jnp.transpose(xyz_t, (2, 1, 0))
    out = pl.pallas_call(
        _fps_kernel,
        out_shape=jax.ShapeDtypeStruct((3, npoint, B), jnp.float32),
        scratch_shapes=[pltpu.VMEM((N, B), jnp.float32)],
        interpret=interpret,
    )(xT)
    return jnp.transpose(out, (2, 1, 0))


def _square_distance(src, dst):
    return (jnp.sum(src ** 2, -1)[:, :, None] + jnp.sum(dst ** 2, -1)[:, None, :]
            - 2.0 * jnp.einsum('bnc,bmc->bnm', src, dst))


def _index_points(points, idx):
    return jax.vmap(lambda p, i: p[i])(points, idx)


def _farthest_point_sample(xyz, npoint):
    B, N, _ = xyz.shape
    def step(carry, _):
        distance, farthest = carry
        centroid = jnp.take_along_axis(xyz, farthest[:, None, None], axis=1)
        dist = jnp.sum((xyz - centroid) ** 2, axis=-1)
        distance = jnp.minimum(distance, dist)
        new_far = jnp.argmax(distance, axis=-1).astype(jnp.int32)
        return (distance, new_far), farthest
    init = (jnp.full((B, N), 1e10, dtype=xyz.dtype), jnp.zeros((B,), dtype=jnp.int32))
    _, cents = jax.lax.scan(step, init, None, length=npoint)
    return jnp.transpose(cents)


def _knn_point(nsample, xyz, new_xyz):
    sqr = _square_distance(new_xyz, xyz)
    _, idx = jax.lax.top_k(-sqr, nsample)
    return idx


def _compute_density(xyz, bandwidth):
    sqr = _square_distance(xyz, xyz)
    g = jnp.exp(-sqr / (2.0 * bandwidth * bandwidth)) / (2.5 * bandwidth)
    return jnp.mean(g, axis=-1)


def _sample_and_group(npoint, nsample, xyz, points, density):
    new_xyz = _fps_new_xyz(xyz, npoint)
    idx = _knn_point(nsample, xyz, new_xyz)
    grouped_xyz = _index_points(xyz, idx)
    grouped_xyz_norm = grouped_xyz - new_xyz[:, :, None, :]
    grouped_points = _index_points(points, idx)
    new_points = jnp.concatenate([grouped_xyz_norm, grouped_points], axis=-1)
    grouped_density = _index_points(density, idx)
    return new_xyz, new_points, grouped_xyz_norm, grouped_density


def _sample_and_group_all(xyz, points, density):
    B, N, C = xyz.shape
    new_xyz = jnp.zeros((B, 1, C), dtype=xyz.dtype)
    grouped_xyz = xyz[:, None, :, :]
    new_points = jnp.concatenate([grouped_xyz, points[:, None, :, :]], axis=-1)
    grouped_density = density[:, None, :, :]
    return new_xyz, new_points, grouped_xyz, grouped_density


def _conv1x1(x, p):
    return jnp.einsum('oc,bckn->bokn', p['w'], x) + p['b'][None, :, None, None]


def _group_norm1(x, g, b, eps=1e-5):
    axes = tuple(range(1, x.ndim))
    mu = jnp.mean(x, axis=axes, keepdims=True)
    var = jnp.var(x, axis=axes, keepdims=True)
    xh = (x - mu) / jnp.sqrt(var + eps)
    shp = (1, x.shape[1]) + (1,) * (x.ndim - 2)
    return xh * g.reshape(shp) + b.reshape(shp)


def _weightnet(ps, x):
    for p in ps:
        x = jax.nn.relu(_group_norm1(_conv1x1(x, p), p['g'], p['beta']))
    return x


def _densitynet(ps, x):
    n = len(ps)
    for i, p in enumerate(ps):
        x = _group_norm1(_conv1x1(x, p), p['g'], p['beta'])
        x = jax.nn.sigmoid(x) if i == n - 1 else jax.nn.relu(x)
    return x


def _pointconv_sa(p, xyz, points, npoint, nsample, bandwidth, group_all):
    B = xyz.shape[0]
    xyz_t = jnp.transpose(xyz, (0, 2, 1))
    pts_t = jnp.transpose(points, (0, 2, 1))
    density = _compute_density(xyz_t, bandwidth)
    inv_d = (1.0 / density)[:, :, None]
    if group_all:
        new_xyz, new_points, gxyz_norm, g_density = _sample_and_group_all(xyz_t, pts_t, inv_d)
        S = 1
    else:
        new_xyz, new_points, gxyz_norm, g_density = _sample_and_group(npoint, nsample, xyz_t, pts_t, inv_d)
        S = npoint
    x = jnp.transpose(new_points, (0, 3, 2, 1))
    for cp in p['mlp']:
        x = jax.nn.relu(_group_norm1(_conv1x1(x, cp), cp['g'], cp['beta']))
    inv_max = jnp.max(g_density, axis=2, keepdims=True)
    dscale = g_density / inv_max
    dscale = _densitynet(p['density'], jnp.transpose(dscale, (0, 3, 2, 1)))
    x = x * dscale
    gx = jnp.transpose(gxyz_norm, (0, 3, 2, 1))
    w = _weightnet(p['weight'], gx)
    out = jnp.einsum('bsck,bskw->bscw', jnp.transpose(x, (0, 3, 1, 2)), jnp.transpose(w, (0, 3, 2, 1)))
    out = out.reshape(B, S, -1)
    out = out @ p['linear']['w'].T + p['linear']['b']
    out = jnp.transpose(out, (0, 2, 1))
    out = jax.nn.relu(_group_norm1(out, p['bn_linear']['g'], p['bn_linear']['beta']))
    return jnp.transpose(new_xyz, (0, 2, 1)), out


def _fc_head_kernel(h_ref, w1_ref, b1_ref, g1_ref, be1_ref,
                    w3_ref, b3_ref, g3_ref, be3_ref,
                    w4_ref, b4_ref, g4_ref, be4_ref,
                    w5_ref, b5_ref, out_ref):
    def gn_relu(x, g, b, eps=1e-5):
        mu = jnp.mean(x, axis=1, keepdims=True)
        var = jnp.mean((x - mu) ** 2, axis=1, keepdims=True)
        xh = (x - mu) / jnp.sqrt(var + eps)
        return jnp.maximum(xh * g[None, :] + b[None, :], 0.0)

    h = h_ref[...]
    h = gn_relu(jnp.dot(h, w1_ref[...].T, preferred_element_type=jnp.float32) + b1_ref[...][None, :],
                g1_ref[...], be1_ref[...])
    h = gn_relu(jnp.dot(h, w3_ref[...].T, preferred_element_type=jnp.float32) + b3_ref[...][None, :],
                g3_ref[...], be3_ref[...])
    h = gn_relu(jnp.dot(h, w4_ref[...].T, preferred_element_type=jnp.float32) + b4_ref[...][None, :],
                g4_ref[...], be4_ref[...])
    out_ref[...] = jnp.dot(h, w5_ref[...].T, preferred_element_type=jnp.float32) + b5_ref[...][None, :]


def _fc_head(params, h):
    B = h.shape[0]
    args = [h,
            params['fc1']['w'], params['fc1']['b'], params['bn1']['g'], params['bn1']['beta'],
            params['fc3']['w'], params['fc3']['b'], params['bn3']['g'], params['bn3']['beta'],
            params['fc4']['w'], params['fc4']['b'], params['bn4']['g'], params['bn4']['beta'],
            params['fc5']['w'], params['fc5']['b']]
    return pl.pallas_call(
        _fc_head_kernel,
        out_shape=jax.ShapeDtypeStruct((B, 6), jnp.float32),
    )(*args)


def kernel(xyz, xyz_goal, params):
    B = xyz.shape[0]
    l1x, l1p = _pointconv_sa(params['sa1'], xyz[:, :3, :], xyz, 512, 32, 0.1, False)
    l2x, l2p = _pointconv_sa(params['sa2'], l1x, l1p, 128, 64, 0.2, False)
    l3x, l3p = _pointconv_sa(params['sa3'], l2x, l2p, 1, None, 0.4, True)
    x = l3p.reshape(B, 256)
    g1x, g1p = _pointconv_sa(params['sa1_g'], xyz_goal, xyz_goal, 512, 32, 0.1, False)
    g2x, g2p = _pointconv_sa(params['sa2_g'], g1x, g1p, 128, 64, 0.2, False)
    g3x, g3p = _pointconv_sa(params['sa3_g'], g2x, g2p, 1, None, 0.4, True)
    g = g3p.reshape(B, 256)
    h = jnp.concatenate([x, g], axis=-1)
    return _fc_head(params, h)

# --- scband reference (transcript-rebuilt; emitter-appended) ---
"""Pipeline reference for scband-deformer-net-bimanual-44169443672120 (READ-ONLY COPY).

The authoritative reference and input builder live on the scoring server;
editing this copy changes nothing except your own understanding.
"""

import jax, jax.numpy as jnp
import numpy as np


def square_distance(src, dst):
    return (jnp.sum(src ** 2, -1)[:, :, None] + jnp.sum(dst ** 2, -1)[:, None, :]
            - 2.0 * jnp.einsum('bnc,bmc->bnm', src, dst))


def index_points(points, idx):
    return jax.vmap(lambda p, i: p[i])(points, idx)


def farthest_point_sample(xyz, npoint):
    B, N, _ = xyz.shape
    def step(carry, _):
        distance, farthest = carry
        centroid = jnp.take_along_axis(xyz, farthest[:, None, None], axis=1)
        dist = jnp.sum((xyz - centroid) ** 2, axis=-1)
        distance = jnp.minimum(distance, dist)
        new_far = jnp.argmax(distance, axis=-1).astype(jnp.int32)
        return (distance, new_far), farthest
    init = (jnp.full((B, N), 1e10, dtype=xyz.dtype), jnp.zeros((B,), dtype=jnp.int32))
    _, cents = jax.lax.scan(step, init, None, length=npoint)
    return jnp.transpose(cents)


def knn_point(nsample, xyz, new_xyz):
    sqr = square_distance(new_xyz, xyz)
    _, idx = jax.lax.top_k(-sqr, nsample)
    return idx


def compute_density(xyz, bandwidth):
    sqr = square_distance(xyz, xyz)
    g = jnp.exp(-sqr / (2.0 * bandwidth * bandwidth)) / (2.5 * bandwidth)
    return jnp.mean(g, axis=-1)


def sample_and_group(npoint, nsample, xyz, points, density):
    fps_idx = farthest_point_sample(jax.lax.stop_gradient(xyz), npoint)
    new_xyz = index_points(xyz, fps_idx)
    idx = knn_point(nsample, jax.lax.stop_gradient(xyz), jax.lax.stop_gradient(new_xyz))
    grouped_xyz = index_points(xyz, idx)
    grouped_xyz_norm = grouped_xyz - new_xyz[:, :, None, :]
    grouped_points = index_points(points, idx)
    new_points = jnp.concatenate([grouped_xyz_norm, grouped_points], axis=-1)
    grouped_density = index_points(density, idx)
    return new_xyz, new_points, grouped_xyz_norm, grouped_density


def sample_and_group_all(xyz, points, density):
    B, N, C = xyz.shape
    new_xyz = jnp.zeros((B, 1, C), dtype=xyz.dtype)
    grouped_xyz = xyz[:, None, :, :]
    new_points = jnp.concatenate([grouped_xyz, points[:, None, :, :]], axis=-1)
    grouped_density = density[:, None, :, :]
    return new_xyz, new_points, grouped_xyz, grouped_density


def conv1x1(x, p):
    return jnp.einsum('oc,bckn->bokn', p['w'], x) + p['b'][None, :, None, None]


def group_norm1(x, g, b, eps=1e-5):
    axes = tuple(range(1, x.ndim))
    mu = jnp.mean(x, axis=axes, keepdims=True)
    var = jnp.var(x, axis=axes, keepdims=True)
    xh = (x - mu) / jnp.sqrt(var + eps)
    shp = (1, x.shape[1]) + (1,) * (x.ndim - 2)
    return xh * g.reshape(shp) + b.reshape(shp)


def weightnet(ps, x):
    for p in ps:
        x = jax.nn.relu(group_norm1(conv1x1(x, p), p['g'], p['beta']))
    return x


def densitynet(ps, x):
    n = len(ps)
    for i, p in enumerate(ps):
        x = group_norm1(conv1x1(x, p), p['g'], p['beta'])
        x = jax.nn.sigmoid(x) if i == n - 1 else jax.nn.relu(x)
    return x


def pointconv_sa(p, xyz, points, npoint, nsample, bandwidth, group_all):
    B = xyz.shape[0]
    xyz_t = jnp.transpose(xyz, (0, 2, 1))
    pts_t = jnp.transpose(points, (0, 2, 1))
    density = compute_density(xyz_t, bandwidth)
    inv_d = (1.0 / density)[:, :, None]
    if group_all:
        new_xyz, new_points, gxyz_norm, g_density = sample_and_group_all(xyz_t, pts_t, inv_d)
        S = 1
    else:
        new_xyz, new_points, gxyz_norm, g_density = sample_and_group(npoint, nsample, xyz_t, pts_t, inv_d)
        S = npoint
    x = jnp.transpose(new_points, (0, 3, 2, 1))
    for cp in p['mlp']:
        x = jax.nn.relu(group_norm1(conv1x1(x, cp), cp['g'], cp['beta']))
    inv_max = jnp.max(g_density, axis=2, keepdims=True)
    dscale = g_density / inv_max
    dscale = densitynet(p['density'], jnp.transpose(dscale, (0, 3, 2, 1)))
    x = x * dscale
    gx = jnp.transpose(gxyz_norm, (0, 3, 2, 1))
    w = weightnet(p['weight'], gx)
    out = jnp.einsum('bsck,bskw->bscw', jnp.transpose(x, (0, 3, 1, 2)), jnp.transpose(w, (0, 3, 2, 1)))
    out = out.reshape(B, S, -1)
    out = out @ p['linear']['w'].T + p['linear']['b']
    out = jnp.transpose(out, (0, 2, 1))
    out = jax.nn.relu(group_norm1(out, p['bn_linear']['g'], p['bn_linear']['beta']))
    return jnp.transpose(new_xyz, (0, 2, 1)), out


def forward(params, xyz, xyz_goal):
    B = xyz.shape[0]
    l1x, l1p = pointconv_sa(params['sa1'], xyz[:, :3, :], xyz, 512, 32, 0.1, False)
    l2x, l2p = pointconv_sa(params['sa2'], l1x, l1p, 128, 64, 0.2, False)
    l3x, l3p = pointconv_sa(params['sa3'], l2x, l2p, 1, None, 0.4, True)
    x = l3p.reshape(B, 256)
    g1x, g1p = pointconv_sa(params['sa1_g'], xyz_goal, xyz_goal, 512, 32, 0.1, False)
    g2x, g2p = pointconv_sa(params['sa2_g'], g1x, g1p, 128, 64, 0.2, False)
    g3x, g3p = pointconv_sa(params['sa3_g'], g2x, g2p, 1, None, 0.4, True)
    g = g3p.reshape(B, 256)
    h = jnp.concatenate([x, g], axis=-1)
    h = jax.nn.relu(group_norm1(h @ params['fc1']['w'].T + params['fc1']['b'], params['bn1']['g'], params['bn1']['beta']))
    h = jax.nn.relu(group_norm1(h @ params['fc3']['w'].T + params['fc3']['b'], params['bn3']['g'], params['bn3']['beta']))
    h = jax.nn.relu(group_norm1(h @ params['fc4']['w'].T + params['fc4']['b'], params['bn4']['g'], params['bn4']['beta']))
    return h @ params['fc5']['w'].T + params['fc5']['b']


def _conv_p(key, ci, co):
    return {'w': jax.random.normal(key, (co, ci), dtype=jnp.float32) * 0.1,
            'b': jnp.zeros(co, jnp.float32), 'g': jnp.ones(co, jnp.float32), 'beta': jnp.zeros(co, jnp.float32)}


def _lin_p(key, ci, co):
    return {'w': jax.random.normal(key, (co, ci), dtype=jnp.float32) * (1.0 / np.sqrt(ci)),
            'b': jnp.zeros(co, jnp.float32)}


def _sa_p(key, c_in, c_out):
    ks = jax.random.split(key, 9)
    return {'mlp': [_conv_p(ks[0], c_in, c_out)],
            'weight': [_conv_p(ks[1], 3, 8), _conv_p(ks[2], 8, 8), _conv_p(ks[3], 8, 16)],
            'density': [_conv_p(ks[4], 1, 16), _conv_p(ks[5], 16, 8), _conv_p(ks[6], 8, 1)],
            'linear': _lin_p(ks[7], 16 * c_out, c_out),
            'bn_linear': {'g': jnp.ones(c_out, jnp.float32), 'beta': jnp.zeros(c_out, jnp.float32)}}


def setup_inputs(seed: int = 0):
    key = jax.random.key(seed)
    ks = jax.random.split(key, 12)
    B, N = 16, 1024
    xyz = jax.random.normal(ks[0], (B, 5, N), dtype=jnp.float32)
    xyz_goal = jax.random.normal(ks[1], (B, 3, N), dtype=jnp.float32)
    params = {
        'sa1': _sa_p(ks[2], 8, 64), 'sa2': _sa_p(ks[3], 67, 128), 'sa3': _sa_p(ks[4], 131, 256),
        'sa1_g': _sa_p(ks[5], 6, 64), 'sa2_g': _sa_p(ks[6], 67, 128), 'sa3_g': _sa_p(ks[7], 131, 256),
        'fc1': _lin_p(ks[8], 512, 256), 'bn1': {'g': jnp.ones(256, jnp.float32), 'beta': jnp.zeros(256, jnp.float32)},
        'fc3': _lin_p(ks[9], 256, 128), 'bn3': {'g': jnp.ones(128, jnp.float32), 'beta': jnp.zeros(128, jnp.float32)},
        'fc4': _lin_p(ks[10], 128, 64), 'bn4': {'g': jnp.ones(64, jnp.float32), 'beta': jnp.zeros(64, jnp.float32)},
        'fc5': _lin_p(ks[11], 64, 6),
    }
    return {'xyz': xyz, 'xyz_goal': xyz_goal, 'params': params}


def reference(xyz, xyz_goal, params):
    return forward(params, xyz, xyz_goal)

if __name__ == "__main__":
    import jax
    _d = setup_inputs()
    print(jax.jit(kernel)(*tuple(_d.values())))

</pallas_src>

<mosaic_0001>
module attributes {stable_mosaic.version = 14 : i64} {
  func.func @_fps_kernel(%arg0: memref<3x1024x16xf32, #tpu.memory_space<vmem>>, %arg1: memref<3x512x16xf32, #tpu.memory_space<vmem>>, %arg2: memref<1024x16xf32, #tpu.memory_space<vmem>>) attributes {dimension_semantics = [], scalar_prefetch = 0 : i64, scratch_operands = 1 : i64, tpu.core_type = #tpu.core_type<tc>} {
    %broadcast_in_dim3A = arith.constant 1.000000e+10 : f32
    %broadcast_in_dim3A_0 = vector.broadcast %broadcast_in_dim3A : f32 to vector<1024x16xf32>
    %swap3A = arith.constant 0 : index
    %swap3A_1 = arith.constant 0 : index
    %swap3A_2 = vector.load %arg2[%swap3A, %swap3A_1] : memref<1024x16xf32, #tpu.memory_space<vmem>>, vector<1024x16xf32>
    tpu.vector_store %arg2[%swap3A, %swap3A_1], %broadcast_in_dim3A_0 {strides = array<i32>} : memref<1024x16xf32, #tpu.memory_space<vmem>>, vector<1024x16xf32>,
    %iota3A = tpu.iota {dimensions = array<i32: 0>} : vector<1024x16xi32>
    %get3A = arith.constant 0 : index
    %get3A_3 = arith.constant 0 : index
    %get3A_4 = arith.constant 0 : index
    %get3A_5 = vector.load %arg0[%get3A, %get3A_3, %get3A_4] : memref<3x1024x16xf32, #tpu.memory_space<vmem>>, vector<1x1024x16xf32>
    %get3A_6 = vector.shape_cast %get3A_5 : vector<1x1024x16xf32> to vector<1024x16xf32>
    %get3A_7 = arith.constant 1 : index
    %get3A_8 = arith.constant 0 : index
    %get3A_9 = arith.constant 0 : index
    %get3A_10 = vector.load %arg0[%get3A_7, %get3A_8, %get3A_9] : memref<3x1024x16xf32, #tpu.memory_space<vmem>>, vector<1x1024x16xf32>
    %get3A_11 = vector.shape_cast %get3A_10 : vector<1x1024x16xf32> to vector<1024x16xf32>
    %get3A_12 = arith.constant 2 : index
    %get3A_13 = arith.constant 0 : index
    %get3A_14 = arith.constant 0 : index
    %get3A_15 = vector.load %arg0[%get3A_12, %get3A_13, %get3A_14] : memref<3x1024x16xf32, #tpu.memory_space<vmem>>, vector<1x1024x16xf32>
    %get3A_16 = vector.shape_cast %get3A_15 : vector<1x1024x16xf32> to vector<1024x16xf32>
    %broadcast_in_dim3A_17 = arith.constant 0 : i32
    %broadcast_in_dim3A_18 = vector.broadcast %broadcast_in_dim3A_17 : i32 to vector<1x16xi32>
    %scan3A = arith.constant 0 : i32
    %scan3A_19 = arith.constant 512 : i32
    %scan3A_20 = arith.addi %scan3A, %scan3A_19 : i32
    %scan3A_21 = arith.constant 1 : i32
    %scan3A_22 = scf.for %scan3A_24 = %scan3A to %scan3A_20 step %scan3A_21 iter_args(%scan3A_25 = %broadcast_in_dim3A_18) -> (vector<1x16xi32>)  : i32 {
      %eq3A = vector.broadcast %scan3A_25 : vector<1x16xi32> to vector<1024x16xi32>
      %eq3A_26 = arith.cmpi eq, %iota3A, %eq3A : vector<1024x16xi32>
      %jit3A = arith.constant 0.000000e+00 : f32
      %broadcast_in_dim3A_27 = vector.broadcast %jit3A : f32 to vector<1024x16xf32>
      %select_n3A = arith.select %eq3A_26, %get3A_6, %broadcast_in_dim3A_27 : vector<1024x16xi1>, vector<1024x16xf32>
      %reduce_sum3A = arith.constant dense<0.000000e+00> : vector<16xf32>
      %reduce_sum3A_28 = vector.multi_reduction <add>, %select_n3A, %reduce_sum3A [0] : vector<1024x16xf32> to vector<16xf32>
      %broadcast_in_dim3A_29 = vector.shape_cast %reduce_sum3A_28 : vector<16xf32> to vector<1x16xf32>
      %jit3A_30 = arith.constant 0.000000e+00 : f32
      %broadcast_in_dim3A_31 = vector.broadcast %jit3A_30 : f32 to vector<1024x16xf32>
      %select_n3A_32 = arith.select %eq3A_26, %get3A_11, %broadcast_in_dim3A_31 : vector<1024x16xi1>, vector<1024x16xf32>
      %reduce_sum3A_33 = arith.constant dense<0.000000e+00> : vector<16xf32>
      %reduce_sum3A_34 = vector.multi_reduction <add>, %select_n3A_32, %reduce_sum3A_33 [0] : vector<1024x16xf32> to vector<16xf32>
      %broadcast_in_dim3A_35 = vector.shape_cast %reduce_sum3A_34 : vector<16xf32> to vector<1x16xf32>
      %jit3A_36 = arith.constant 0.000000e+00 : f32
      %broadcast_in_dim3A_37 = vector.broadcast %jit3A_36 : f32 to vector<1024x16xf32>
      %select_n3A_38 = arith.select %eq3A_26, %get3A_16, %broadcast_in_dim3A_37 : vector<1024x16xi1>, vector<1024x16xf32>
      %reduce_sum3A_39 = arith.constant dense<0.000000e+00> : vector<16xf32>
      %reduce_sum3A_40 = vector.multi_reduction <add>, %select_n3A_38, %reduce_sum3A_39 [0] : vector<1024x16xf32> to vector<16xf32>
      %broadcast_in_dim3A_41 = vector.shape_cast %reduce_sum3A_40 : vector<16xf32> to vector<1x16xf32>
      %swap3A_42 = arith.constant 0 : index
      %swap3A_43 = arith.index_cast %scan3A_24 : i32 to index
      %swap3A_44 = arith.constant 0 : index
      %swap3A_45 = vector.load %arg1[%swap3A_42, %swap3A_43, %swap3A_44] : memref<3x512x16xf32, #tpu.memory_space<vmem>>, vector<1x1x16xf32>
      %swap3A_46 = vector.shape_cast %swap3A_45 : vector<1x1x16xf32> to vector<1x16xf32>
      %swap3A_47 = vector.shape_cast %broadcast_in_dim3A_29 : vector<1x16xf32> to vector<1x1x16xf32>
      tpu.vector_store %arg1[%swap3A_42, %swap3A_43, %swap3A_44], %swap3A_47 {strides = array<i32>} : memref<3x512x16xf32, #tpu.memory_space<vmem>>, vector<1x1x16xf32>,
      %swap3A_48 = arith.constant 1 : index
      %swap3A_49 = arith.index_cast %scan3A_24 : i32 to index
      %swap3A_50 = arith.constant 0 : index
      %swap3A_51 = vector.load %arg1[%swap3A_48, %swap3A_49, %swap3A_50] : memref<3x512x16xf32, #tpu.memory_space<vmem>>, vector<1x1x16xf32>
      %swap3A_52 = vector.shape_cast %swap3A_51 : vector<1x1x16xf32> to vector<1x16xf32>
      %swap3A_53 = vector.shape_cast %broadcast_in_dim3A_35 : vector<1x16xf32> to vector<1x1x16xf32>
      tpu.vector_store %arg1[%swap3A_48, %swap3A_49, %swap3A_50], %swap3A_53 {strides = array<i32>} : memref<3x512x16xf32, #tpu.memory_space<vmem>>, vector<1x1x16xf32>,
      %swap3A_54 = arith.constant 2 : index
      %swap3A_55 = arith.index_cast %scan3A_24 : i32 to index
      %swap3A_56 = arith.constant 0 : index
      %swap3A_57 = vector.load %arg1[%swap3A_54, %swap3A_55, %swap3A_56] : memref<3x512x16xf32, #tpu.memory_space<vmem>>, vector<1x1x16xf32>
      %swap3A_58 = vector.shape_cast %swap3A_57 : vector<1x1x16xf32> to vector<1x16xf32>
      %swap3A_59 = vector.shape_cast %broadcast_in_dim3A_41 : vector<1x16xf32> to vector<1x1x16xf32>
      tpu.vector_store %arg1[%swap3A_54, %swap3A_55, %swap3A_56], %swap3A_59 {strides = array<i32>} : memref<3x512x16xf32, #tpu.memory_space<vmem>>, vector<1x1x16xf32>,
      %sub3A = vector.broadcast %broadcast_in_dim3A_29 : vector<1x16xf32> to vector<1024x16xf32>
      %sub3A_60 = arith.subf %get3A_6, %sub3A : vector<1024x16xf32>
      %sub3A_61 = vector.broadcast %broadcast_in_dim3A_35 : vector<1x16xf32> to vector<1024x16xf32>
      %sub3A_62 = arith.subf %get3A_11, %sub3A_61 : vector<1024x16xf32>
      %sub3A_63 = vector.broadcast %broadcast_in_dim3A_41 : vector<1x16xf32> to vector<1024x16xf32>
      %sub3A_64 = arith.subf %get3A_16, %sub3A_63 : vector<1024x16xf32>
      %get3A_65 = arith.constant 0 : index
      %get3A_66 = arith.constant 0 : index
      %get3A_67 = vector.load %arg2[%get3A_65, %get3A_66] : memref<1024x16xf32, #tpu.memory_space<vmem>>, vector<1024x16xf32>
      %mul3A = arith.mulf %sub3A_60, %sub3A_60 : vector<1024x16xf32>
      %mul3A_68 = arith.mulf %sub3A_62, %sub3A_62 : vector<1024x16xf32>
      %add3A = arith.addf %mul3A, %mul3A_68 : vector<1024x16xf32>
      %mul3A_69 = arith.mulf %sub3A_64, %sub3A_64 : vector<1024x16xf32>
      %add3A_70 = arith.addf %add3A, %mul3A_69 : vector<1024x16xf32>
      %min3A = arith.minimumf %get3A_67, %add3A_70 : vector<1024x16xf32>
      %swap3A_71 = arith.constant 0 : index
      %swap3A_72 = arith.constant 0 : index
      %swap3A_73 = vector.load %arg2[%swap3A_71, %swap3A_72] : memref<1024x16xf32, #tpu.memory_space<vmem>>, vector<1024x16xf32>
      tpu.vector_store %arg2[%swap3A_71, %swap3A_72], %min3A {strides = array<i32>} : memref<1024x16xf32, #tpu.memory_space<vmem>>, vector<1024x16xf32>,
      %reduce_max3A = arith.constant dense<0xFF800000> : vector<16xf32>
      %reduce_max3A_74 = vector.multi_reduction <maximumf>, %min3A, %reduce_max3A [0] : vector<1024x16xf32> to vector<16xf32>
      %broadcast_in_dim3A_75 = vector.shape_cast %reduce_max3A_74 : vector<16xf32> to vector<1x16xf32>
      %eq3A_76 = vector.broadcast %broadcast_in_dim3A_75 : vector<1x16xf32> to vector<1024x16xf32>
      %eq3A_77 = arith.cmpf oeq, %min3A, %eq3A_76 : vector<1024x16xf32>
      %jit3A_78 = arith.constant 1024 : i32
      %broadcast_in_dim3A_79 = vector.broadcast %jit3A_78 : i32 to vector<1024x16xi32>
      %select_n3A_80 = arith.select %eq3A_77, %iota3A, %broadcast_in_dim3A_79 : vector<1024x16xi1>, vector<1024x16xi32>
      %reduce_min3A = arith.constant dense<2147483647> : vector<16xi32>
      %reduce_min3A_81 = vector.multi_reduction <minsi>, %select_n3A_80, %reduce_min3A [0] : vector<1024x16xi32> to vector<16xi32>
      %broadcast_in_dim3A_82 = vector.shape_cast %reduce_min3A_81 : vector<16xi32> to vector<1x16xi32>
      scf.yield %broadcast_in_dim3A_82 : vector<1x16xi32>
    }
    %scan3A_23 = arith.constant 512 : i32
    return
  }
}

module attributes {stable_mosaic.version = 14 : i64} {
  func.func @_fps_kernel(%arg0: memref<3x512x16xf32, #tpu.memory_space<vmem>>, %arg1: memref<3x128x16xf32, #tpu.memory_space<vmem>>, %arg2: memref<512x16xf32, #tpu.memory_space<vmem>>) attributes {dimension_semantics = [], scalar_prefetch = 0 : i64, scratch_operands = 1 : i64, tpu.core_type = #tpu.core_type<tc>} {
    %broadcast_in_dim3A = arith.constant 1.000000e+10 : f32
    %broadcast_in_dim3A_0 = vector.broadcast %broadcast_in_dim3A : f32 to vector<512x16xf32>
    %swap3A = arith.constant 0 : index
    %swap3A_1 = arith.constant 0 : index
    %swap3A_2 = vector.load %arg2[%swap3A, %swap3A_1] : memref<512x16xf32, #tpu.memory_space<vmem>>, vector<512x16xf32>
    tpu.vector_store %arg2[%swap3A, %swap3A_1], %broadcast_in_dim3A_0 {strides = array<i32>} : memref<512x16xf32, #tpu.memory_space<vmem>>, vector<512x16xf32>,
    %iota3A = tpu.iota {dimensions = array<i32: 0>} : vector<512x16xi32>
    %get3A = arith.constant 0 : index
    %get3A_3 = arith.constant 0 : index
    %get3A_4 = arith.constant 0 : index
    %get3A_5 = vector.load %arg0[%get3A, %get3A_3, %get3A_4] : memref<3x512x16xf32, #tpu.memory_space<vmem>>, vector<1x512x16xf32>
    %get3A_6 = vector.shape_cast %get3A_5 : vector<1x512x16xf32> to vector<512x16xf32>
    %get3A_7 = arith.constant 1 : index
    %get3A_8 = arith.constant 0 : index
    %get3A_9 = arith.constant 0 : index
    %get3A_10 = vector.load %arg0[%get3A_7, %get3A_8, %get3A_9] : memref<3x512x16xf32, #tpu.memory_space<vmem>>, vector<1x512x16xf32>
    %get3A_11 = vector.shape_cast %get3A_10 : vector<1x512x16xf32> to vector<512x16xf32>
    %get3A_12 = arith.constant 2 : index
    %get3A_13 = arith.constant 0 : index
    %get3A_14 = arith.constant 0 : index
    %get3A_15 = vector.load %arg0[%get3A_12, %get3A_13, %get3A_14] : memref<3x512x16xf32, #tpu.memory_space<vmem>>, vector<1x512x16xf32>
    %get3A_16 = vector.shape_cast %get3A_15 : vector<1x512x16xf32> to vector<512x16xf32>
    %broadcast_in_dim3A_17 = arith.constant 0 : i32
    %broadcast_in_dim3A_18 = vector.broadcast %broadcast_in_dim3A_17 : i32 to vector<1x16xi32>
    %scan3A = arith.constant 0 : i32
    %scan3A_19 = arith.constant 128 : i32
    %scan3A_20 = arith.addi %scan3A, %scan3A_19 : i32
    %scan3A_21 = arith.constant 1 : i32
    %scan3A_22 = scf.for %scan3A_24 = %scan3A to %scan3A_20 step %scan3A_21 iter_args(%scan3A_25 = %broadcast_in_dim3A_18) -> (vector<1x16xi32>)  : i32 {
      %eq3A = vector.broadcast %scan3A_25 : vector<1x16xi32> to vector<512x16xi32>
      %eq3A_26 = arith.cmpi eq, %iota3A, %eq3A : vector<512x16xi32>
      %jit3A = arith.constant 0.000000e+00 : f32
      %broadcast_in_dim3A_27 = vector.broadcast %jit3A : f32 to vector<512x16xf32>
      %select_n3A = arith.select %eq3A_26, %get3A_6, %broadcast_in_dim3A_27 : vector<512x16xi1>, vector<512x16xf32>
      %reduce_sum3A = arith.constant dense<0.000000e+00> : vector<16xf32>
      %reduce_sum3A_28 = vector.multi_reduction <add>, %select_n3A, %reduce_sum3A [0] : vector<512x16xf32> to vector<16xf32>
      %broadcast_in_dim3A_29 = vector.shape_cast %reduce_sum3A_28 : vector<16xf32> to vector<1x16xf32>
      %jit3A_30 = arith.constant 0.000000e+00 : f32
      %broadcast_in_dim3A_31 = vector.broadcast %jit3A_30 : f32 to vector<512x16xf32>
      %select_n3A_32 = arith.select %eq3A_26, %get3A_11, %broadcast_in_dim3A_31 : vector<512x16xi1>, vector<512x16xf32>
      %reduce_sum3A_33 = arith.constant dense<0.000000e+00> : vector<16xf32>
      %reduce_sum3A_34 = vector.multi_reduction <add>, %select_n3A_32, %reduce_sum3A_33 [0] : vector<512x16xf32> to vector<16xf32>
      %broadcast_in_dim3A_35 = vector.shape_cast %reduce_sum3A_34 : vector<16xf32> to vector<1x16xf32>
      %jit3A_36 = arith.constant 0.000000e+00 : f32
      %broadcast_in_dim3A_37 = vector.broadcast %jit3A_36 : f32 to vector<512x16xf32>
      %select_n3A_38 = arith.select %eq3A_26, %get3A_16, %broadcast_in_dim3A_37 : vector<512x16xi1>, vector<512x16xf32>
      %reduce_sum3A_39 = arith.constant dense<0.000000e+00> : vector<16xf32>
      %reduce_sum3A_40 = vector.multi_reduction <add>, %select_n3A_38, %reduce_sum3A_39 [0] : vector<512x16xf32> to vector<16xf32>
      %broadcast_in_dim3A_41 = vector.shape_cast %reduce_sum3A_40 : vector<16xf32> to vector<1x16xf32>
      %swap3A_42 = arith.constant 0 : index
      %swap3A_43 = arith.index_cast %scan3A_24 : i32 to index
      %swap3A_44 = arith.constant 0 : index
      %swap3A_45 = vector.load %arg1[%swap3A_42, %swap3A_43, %swap3A_44] : memref<3x128x16xf32, #tpu.memory_space<vmem>>, vector<1x1x16xf32>
      %swap3A_46 = vector.shape_cast %swap3A_45 : vector<1x1x16xf32> to vector<1x16xf32>
      %swap3A_47 = vector.shape_cast %broadcast_in_dim3A_29 : vector<1x16xf32> to vector<1x1x16xf32>
      tpu.vector_store %arg1[%swap3A_42, %swap3A_43, %swap3A_44], %swap3A_47 {strides = array<i32>} : memref<3x128x16xf32, #tpu.memory_space<vmem>>, vector<1x1x16xf32>,
      %swap3A_48 = arith.constant 1 : index
      %swap3A_49 = arith.index_cast %scan3A_24 : i32 to index
      %swap3A_50 = arith.constant 0 : index
      %swap3A_51 = vector.load %arg1[%swap3A_48, %swap3A_49, %swap3A_50] : memref<3x128x16xf32, #tpu.memory_space<vmem>>, vector<1x1x16xf32>
      %swap3A_52 = vector.shape_cast %swap3A_51 : vector<1x1x16xf32> to vector<1x16xf32>
      %swap3A_53 = vector.shape_cast %broadcast_in_dim3A_35 : vector<1x16xf32> to vector<1x1x16xf32>
      tpu.vector_store %arg1[%swap3A_48, %swap3A_49, %swap3A_50], %swap3A_53 {strides = array<i32>} : memref<3x128x16xf32, #tpu.memory_space<vmem>>, vector<1x1x16xf32>,
      %swap3A_54 = arith.constant 2 : index
      %swap3A_55 = arith.index_cast %scan3A_24 : i32 to index
      %swap3A_56 = arith.constant 0 : index
      %swap3A_57 = vector.load %arg1[%swap3A_54, %swap3A_55, %swap3A_56] : memref<3x128x16xf32, #tpu.memory_space<vmem>>, vector<1x1x16xf32>
      %swap3A_58 = vector.shape_cast %swap3A_57 : vector<1x1x16xf32> to vector<1x16xf32>
      %swap3A_59 = vector.shape_cast %broadcast_in_dim3A_41 : vector<1x16xf32> to vector<1x1x16xf32>
      tpu.vector_store %arg1[%swap3A_54, %swap3A_55, %swap3A_56], %swap3A_59 {strides = array<i32>} : memref<3x128x16xf32, #tpu.memory_space<vmem>>, vector<1x1x16xf32>,
      %sub3A = vector.broadcast %broadcast_in_dim3A_29 : vector<1x16xf32> to vector<512x16xf32>
      %sub3A_60 = arith.subf %get3A_6, %sub3A : vector<512x16xf32>
      %sub3A_61 = vector.broadcast %broadcast_in_dim3A_35 : vector<1x16xf32> to vector<512x16xf32>
      %sub3A_62 = arith.subf %get3A_11, %sub3A_61 : vector<512x16xf32>
      %sub3A_63 = vector.broadcast %broadcast_in_dim3A_41 : vector<1x16xf32> to vector<512x16xf32>
      %sub3A_64 = arith.subf %get3A_16, %sub3A_63 : vector<512x16xf32>
      %get3A_65 = arith.constant 0 : index
      %get3A_66 = arith.constant 0 : index
      %get3A_67 = vector.load %arg2[%get3A_65, %get3A_66] : memref<512x16xf32, #tpu.memory_space<vmem>>, vector<512x16xf32>
      %mul3A = arith.mulf %sub3A_60, %sub3A_60 : vector<512x16xf32>
      %mul3A_68 = arith.mulf %sub3A_62, %sub3A_62 : vector<512x16xf32>
      %add3A = arith.addf %mul3A, %mul3A_68 : vector<512x16xf32>
      %mul3A_69 = arith.mulf %sub3A_64, %sub3A_64 : vector<512x16xf32>
      %add3A_70 = arith.addf %add3A, %mul3A_69 : vector<512x16xf32>
      %min3A = arith.minimumf %get3A_67, %add3A_70 : vector<512x16xf32>
      %swap3A_71 = arith.constant 0 : index
      %swap3A_72 = arith.constant 0 : index
      %swap3A_73 = vector.load %arg2[%swap3A_71, %swap3A_72] : memref<512x16xf32, #tpu.memory_space<vmem>>, vector<512x16xf32>
      tpu.vector_store %arg2[%swap3A_71, %swap3A_72], %min3A {strides = array<i32>} : memref<512x16xf32, #tpu.memory_space<vmem>>, vector<512x16xf32>,
      %reduce_max3A = arith.constant dense<0xFF800000> : vector<16xf32>
      %reduce_max3A_74 = vector.multi_reduction <maximumf>, %min3A, %reduce_max3A [0] : vector<512x16xf32> to vector<16xf32>
      %broadcast_in_dim3A_75 = vector.shape_cast %reduce_max3A_74 : vector<16xf32> to vector<1x16xf32>
      %eq3A_76 = vector.broadcast %broadcast_in_dim3A_75 : vector<1x16xf32> to vector<512x16xf32>
      %eq3A_77 = arith.cmpf oeq, %min3A, %eq3A_76 : vector<512x16xf32>
      %jit3A_78 = arith.constant 512 : i32
      %broadcast_in_dim3A_79 = vector.broadcast %jit3A_78 : i32 to vector<512x16xi32>
      %select_n3A_80 = arith.select %eq3A_77, %iota3A, %broadcast_in_dim3A_79 : vector<512x16xi1>, vector<512x16xi32>
      %reduce_min3A = arith.constant dense<2147483647> : vector<16xi32>
      %reduce_min3A_81 = vector.multi_reduction <minsi>, %select_n3A_80, %reduce_min3A [0] : vector<512x16xi32> to vector<16xi32>
      %broadcast_in_dim3A_82 = vector.shape_cast %reduce_min3A_81 : vector<16xi32> to vector<1x16xi32>
      scf.yield %broadcast_in_dim3A_82 : vector<1x16xi32>
    }
    %scan3A_23 = arith.constant 128 : i32
    return
  }
}

module attributes {stable_mosaic.version = 14 : i64} {
  func.func @_fc_head_kernel(%arg0: memref<16x512xf32, #tpu.memory_space<vmem>>, %arg1: memref<256x512xf32, #tpu.memory_space<vmem>>, %arg2: memref<256xf32, #tpu.memory_space<vmem>>, %arg3: memref<256xf32, #tpu.memory_space<vmem>>, %arg4: memref<256xf32, #tpu.memory_space<vmem>>, %arg5: memref<128x256xf32, #tpu.memory_space<vmem>>, %arg6: memref<128xf32, #tpu.memory_space<vmem>>, %arg7: memref<128xf32, #tpu.memory_space<vmem>>, %arg8: memref<128xf32, #tpu.memory_space<vmem>>, %arg9: memref<64x128xf32, #tpu.memory_space<vmem>>, %arg10: memref<64xf32, #tpu.memory_space<vmem>>, %arg11: memref<64xf32, #tpu.memory_space<vmem>>, %arg12: memref<64xf32, #tpu.memory_space<vmem>>, %arg13: memref<6x64xf32, #tpu.memory_space<vmem>>, %arg14: memref<6xf32, #tpu.memory_space<vmem>>, %arg15: memref<16x6xf32, #tpu.memory_space<vmem>>) attributes {dimension_semantics = [], scalar_prefetch = 0 : i64, scratch_operands = 0 : i64, tpu.core_type = #tpu.core_type<tc>} {
    %get3A = arith.constant 0 : index
    %get3A_0 = arith.constant 0 : index
    %get3A_1 = vector.load %arg0[%get3A, %get3A_0] : memref<16x512xf32, #tpu.memory_space<vmem>>, vector<16x512xf32>
    %get3A_2 = arith.constant 0 : index
    %get3A_3 = arith.constant 0 : index
    %get3A_4 = vector.load %arg1[%get3A_2, %get3A_3] : memref<256x512xf32, #tpu.memory_space<vmem>>, vector<256x512xf32>
    %transpose3A = tpu.transpose %get3A_4, [1, 0] : vector<256x512xf32> -> vector<512x256xf32>
    %dot_general3A = arith.constant dense<0.000000e+00> : vector<16x256xf32>
    %dot_general3A_5 = tpu.matmul %get3A_1, %transpose3A, %dot_general3A {dimension_numbers = #tpu.dot_dimension_numbers<[1], [0], [0], [1], [0, 0, 1, 1], [], []>, transpose_lhs_hint = false} : vector<16x512xf32>, vector<512x256xf32>, vector<16x256xf32> -> vector<16x256xf32>
    %get3A_6 = arith.constant 0 : index
    %get3A_7 = vector.load %arg2[%get3A_6] : memref<256xf32, #tpu.memory_space<vmem>>, vector<256xf32>
    %broadcast_in_dim3A = vector.shape_cast %get3A_7 : vector<256xf32> to vector<1x256xf32>
    %add3A = vector.broadcast %broadcast_in_dim3A : vector<1x256xf32> to vector<16x256xf32>
    %add3A_8 = arith.addf %dot_general3A_5, %add3A : vector<16x256xf32>
    %get3A_9 = arith.constant 0 : index
    %get3A_10 = vector.load %arg3[%get3A_9] : memref<256xf32, #tpu.memory_space<vmem>>, vector<256xf32>
    %get3A_11 = arith.constant 0 : index
    %get3A_12 = vector.load %arg4[%get3A_11] : memref<256xf32, #tpu.memory_space<vmem>>, vector<256xf32>
    %reduce_sum3A = arith.constant dense<0.000000e+00> : vector<16xf32>
    %reduce_sum3A_13 = vector.multi_reduction <add>, %add3A_8, %reduce_sum3A [1] : vector<16x256xf32> to vector<16xf32>
    %broadcast_in_dim3A_14 = vector.shape_cast %reduce_sum3A_13 : vector<16xf32> to vector<16x1xf32>
    %div3A = arith.constant 2.560000e+02 : f32
    %div3A_15 = vector.broadcast %div3A : f32 to vector<16x1xf32>
    %div3A_16 = arith.divf %broadcast_in_dim3A_14, %div3A_15 : vector<16x1xf32>
    %sub3A = vector.broadcast %div3A_16 : vector<16x1xf32> to vector<16x256xf32>
    %sub3A_17 = arith.subf %add3A_8, %sub3A : vector<16x256xf32>
    %integer_pow3A = arith.mulf %sub3A_17, %sub3A_17 : vector<16x256xf32>
    %reduce_sum3A_18 = arith.constant dense<0.000000e+00> : vector<16xf32>
    %reduce_sum3A_19 = vector.multi_reduction <add>, %integer_pow3A, %reduce_sum3A_18 [1] : vector<16x256xf32> to vector<16xf32>
    %broadcast_in_dim3A_20 = vector.shape_cast %reduce_sum3A_19 : vector<16xf32> to vector<16x1xf32>
    %div3A_21 = arith.constant 2.560000e+02 : f32
    %div3A_22 = vector.broadcast %div3A_21 : f32 to vector<16x1xf32>
    %div3A_23 = arith.divf %broadcast_in_dim3A_20, %div3A_22 : vector<16x1xf32>
    %sub3A_24 = vector.broadcast %div3A_16 : vector<16x1xf32> to vector<16x256xf32>
    %sub3A_25 = arith.subf %add3A_8, %sub3A_24 : vector<16x256xf32>
    %add3A_26 = arith.constant 9.99999974E-6 : f32
    %add3A_27 = vector.broadcast %add3A_26 : f32 to vector<16x1xf32>
    %add3A_28 = arith.addf %div3A_23, %add3A_27 : vector<16x1xf32>
    %sqrt3A = math.sqrt %add3A_28 : vector<16x1xf32>
    %div3A_29 = vector.broadcast %sqrt3A : vector<16x1xf32> to vector<16x256xf32>
    %div3A_30 = arith.divf %sub3A_25, %div3A_29 : vector<16x256xf32>
    %broadcast_in_dim3A_31 = vector.shape_cast %get3A_10 : vector<256xf32> to vector<1x256xf32>
    %mul3A = vector.broadcast %broadcast_in_dim3A_31 : vector<1x256xf32> to vector<16x256xf32>
    %mul3A_32 = arith.mulf %div3A_30, %mul3A : vector<16x256xf32>
    %broadcast_in_dim3A_33 = vector.shape_cast %get3A_12 : vector<256xf32> to vector<1x256xf32>
    %add3A_34 = vector.broadcast %broadcast_in_dim3A_33 : vector<1x256xf32> to vector<16x256xf32>
    %add3A_35 = arith.addf %mul3A_32, %add3A_34 : vector<16x256xf32>
    %max3A = arith.constant 0.000000e+00 : f32
    %max3A_36 = vector.broadcast %max3A : f32 to vector<16x256xf32>
    %max3A_37 = arith.maximumf %add3A_35, %max3A_36 : vector<16x256xf32>
    %get3A_38 = arith.constant 0 : index
    %get3A_39 = arith.constant 0 : index
    %get3A_40 = vector.load %arg5[%get3A_38, %get3A_39] : memref<128x256xf32, #tpu.memory_space<vmem>>, vector<128x256xf32>
    %transpose3A_41 = tpu.transpose %get3A_40, [1, 0] : vector<128x256xf32> -> vector<256x128xf32>
    %dot_general3A_42 = arith.constant dense<0.000000e+00> : vector<16x128xf32>
    %dot_general3A_43 = tpu.matmul %max3A_37, %transpose3A_41, %dot_general3A_42 {dimension_numbers = #tpu.dot_dimension_numbers<[1], [0], [0], [1], [0, 0, 1, 1], [], []>, transpose_lhs_hint = false} : vector<16x256xf32>, vector<256x128xf32>, vector<16x128xf32> -> vector<16x128xf32>
    %get3A_44 = arith.constant 0 : index
    %get3A_45 = vector.load %arg6[%get3A_44] : memref<128xf32, #tpu.memory_space<vmem>>, vector<128xf32>
    %broadcast_in_dim3A_46 = vector.shape_cast %get3A_45 : vector<128xf32> to vector<1x128xf32>
    %add3A_47 = vector.broadcast %broadcast_in_dim3A_46 : vector<1x128xf32> to vector<16x128xf32>
    %add3A_48 = arith.addf %dot_general3A_43, %add3A_47 : vector<16x128xf32>
    %get3A_49 = arith.constant 0 : index
    %get3A_50 = vector.load %arg7[%get3A_49] : memref<128xf32, #tpu.memory_space<vmem>>, vector<128xf32>
    %get3A_51 = arith.constant 0 : index
    %get3A_52 = vector.load %arg8[%get3A_51] : memref<128xf32, #tpu.memory_space<vmem>>, vector<128xf32>
    %reduce_sum3A_53 = arith.constant dense<0.000000e+00> : vector<16xf32>
    %reduce_sum3A_54 = vector.multi_reduction <add>, %add3A_48, %reduce_sum3A_53 [1] : vector<16x128xf32> to vector<16xf32>
    %broadcast_in_dim3A_55 = vector.shape_cast %reduce_sum3A_54 : vector<16xf32> to vector<16x1xf32>
    %div3A_56 = arith.constant 1.280000e+02 : f32
    %div3A_57 = vector.broadcast %div3A_56 : f32 to vector<16x1xf32>
    %div3A_58 = arith.divf %broadcast_in_dim3A_55, %div3A_57 : vector<16x1xf32>
    %sub3A_59 = vector.broadcast %div3A_58 : vector<16x1xf32> to vector<16x128xf32>
    %sub3A_60 = arith.subf %add3A_48, %sub3A_59 : vector<16x128xf32>
    %integer_pow3A_61 = arith.mulf %sub3A_60, %sub3A_60 : vector<16x128xf32>
    %reduce_sum3A_62 = arith.constant dense<0.000000e+00> : vector<16xf32>
    %reduce_sum3A_63 = vector.multi_reduction <add>, %integer_pow3A_61, %reduce_sum3A_62 [1] : vector<16x128xf32> to vector<16xf32>
    %broadcast_in_dim3A_64 = vector.shape_cast %reduce_sum3A_63 : vector<16xf32> to vector<16x1xf32>
    %div3A_65 = arith.constant 1.280000e+02 : f32
    %div3A_66 = vector.broadcast %div3A_65 : f32 to vector<16x1xf32>
    %div3A_67 = arith.divf %broadcast_in_dim3A_64, %div3A_66 : vector<16x1xf32>
    %sub3A_68 = vector.broadcast %div3A_58 : vector<16x1xf32> to vector<16x128xf32>
    %sub3A_69 = arith.subf %add3A_48, %sub3A_68 : vector<16x128xf32>
    %add3A_70 = arith.constant 9.99999974E-6 : f32
    %add3A_71 = vector.broadcast %add3A_70 : f32 to vector<16x1xf32>
    %add3A_72 = arith.addf %div3A_67, %add3A_71 : vector<16x1xf32>
    %sqrt3A_73 = math.sqrt %add3A_72 : vector<16x1xf32>
    %div3A_74 = vector.broadcast %sqrt3A_73 : vector<16x1xf32> to vector<16x128xf32>
    %div3A_75 = arith.divf %sub3A_69, %div3A_74 : vector<16x128xf32>
    %broadcast_in_dim3A_76 = vector.shape_cast %get3A_50 : vector<128xf32> to vector<1x128xf32>
    %mul3A_77 = vector.broadcast %broadcast_in_dim3A_76 : vector<1x128xf32> to vector<16x128xf32>
    %mul3A_78 = arith.mulf %div3A_75, %mul3A_77 : vector<16x128xf32>
    %broadcast_in_dim3A_79 = vector.shape_cast %get3A_52 : vector<128xf32> to vector<1x128xf32>
    %add3A_80 = vector.broadcast %broadcast_in_dim3A_79 : vector<1x128xf32> to vector<16x128xf32>
    %add3A_81 = arith.addf %mul3A_78, %add3A_80 : vector<16x128xf32>
    %max3A_82 = arith.constant 0.000000e+00 : f32
    %max3A_83 = vector.broadcast %max3A_82 : f32 to vector<16x128xf32>
    %max3A_84 = arith.maximumf %add3A_81, %max3A_83 : vector<16x128xf32>
    %get3A_85 = arith.constant 0 : index
    %get3A_86 = arith.constant 0 : index
    %get3A_87 = vector.load %arg9[%get3A_85, %get3A_86] : memref<64x128xf32, #tpu.memory_space<vmem>>, vector<64x128xf32>
    %transpose3A_88 = tpu.transpose %get3A_87, [1, 0] : vector<64x128xf32> -> vector<128x64xf32>
    %dot_general3A_89 = arith.constant dense<0.000000e+00> : vector<16x64xf32>
    %dot_general3A_90 = tpu.matmul %max3A_84, %transpose3A_88, %dot_general3A_89 {dimension_numbers = #tpu.dot_dimension_numbers<[1], [0], [0], [1], [0, 0, 1, 1], [], []>, transpose_lhs_hint = false} : vector<16x128xf32>, vector<128x64xf32>, vector<16x64xf32> -> vector<16x64xf32>
    %get3A_91 = arith.constant 0 : index
    %get3A_92 = vector.load %arg10[%get3A_91] : memref<64xf32, #tpu.memory_space<vmem>>, vector<64xf32>
    %broadcast_in_dim3A_93 = vector.shape_cast %get3A_92 : vector<64xf32> to vector<1x64xf32>
    %add3A_94 = vector.broadcast %broadcast_in_dim3A_93 : vector<1x64xf32> to vector<16x64xf32>
    %add3A_95 = arith.addf %dot_general3A_90, %add3A_94 : vector<16x64xf32>
    %get3A_96 = arith.constant 0 : index
    %get3A_97 = vector.load %arg11[%get3A_96] : memref<64xf32, #tpu.memory_space<vmem>>, vector<64xf32>
    %get3A_98 = arith.constant 0 : index
    %get3A_99 = vector.load %arg12[%get3A_98] : memref<64xf32, #tpu.memory_space<vmem>>, vector<64xf32>
    %reduce_sum3A_100 = arith.constant dense<0.000000e+00> : vector<16xf32>
    %reduce_sum3A_101 = vector.multi_reduction <add>, %add3A_95, %reduce_sum3A_100 [1] : vector<16x64xf32> to vector<16xf32>
    %broadcast_in_dim3A_102 = vector.shape_cast %reduce_sum3A_101 : vector<16xf32> to vector<16x1xf32>
    %div3A_103 = arith.constant 6.400000e+01 : f32
    %div3A_104 = vector.broadcast %div3A_103 : f32 to vector<16x1xf32>
    %div3A_105 = arith.divf %broadcast_in_dim3A_102, %div3A_104 : vector<16x1xf32>
    %sub3A_106 = vector.broadcast %div3A_105 : vector<16x1xf32> to vector<16x64xf32>
    %sub3A_107 = arith.subf %add3A_95, %sub3A_106 : vector<16x64xf32>
    %integer_pow3A_108 = arith.mulf %sub3A_107, %sub3A_107 : vector<16x64xf32>
    %reduce_sum3A_109 = arith.constant dense<0.000000e+00> : vector<16xf32>
    %reduce_sum3A_110 = vector.multi_reduction <add>, %integer_pow3A_108, %reduce_sum3A_109 [1] : vector<16x64xf32> to vector<16xf32>
    %broadcast_in_dim3A_111 = vector.shape_cast %reduce_sum3A_110 : vector<16xf32> to vector<16x1xf32>
    %div3A_112 = arith.constant 6.400000e+01 : f32
    %div3A_113 = vector.broadcast %div3A_112 : f32 to vector<16x1xf32>
    %div3A_114 = arith.divf %broadcast_in_dim3A_111, %div3A_113 : vector<16x1xf32>
    %sub3A_115 = vector.broadcast %div3A_105 : vector<16x1xf32> to vector<16x64xf32>
    %sub3A_116 = arith.subf %add3A_95, %sub3A_115 : vector<16x64xf32>
    %add3A_117 = arith.constant 9.99999974E-6 : f32
    %add3A_118 = vector.broadcast %add3A_117 : f32 to vector<16x1xf32>
    %add3A_119 = arith.addf %div3A_114, %add3A_118 : vector<16x1xf32>
    %sqrt3A_120 = math.sqrt %add3A_119 : vector<16x1xf32>
    %div3A_121 = vector.broadcast %sqrt3A_120 : vector<16x1xf32> to vector<16x64xf32>
    %div3A_122 = arith.divf %sub3A_116, %div3A_121 : vector<16x64xf32>
    %broadcast_in_dim3A_123 = vector.shape_cast %get3A_97 : vector<64xf32> to vector<1x64xf32>
    %mul3A_124 = vector.broadcast %broadcast_in_dim3A_123 : vector<1x64xf32> to vector<16x64xf32>
    %mul3A_125 = arith.mulf %div3A_122, %mul3A_124 : vector<16x64xf32>
    %broadcast_in_dim3A_126 = vector.shape_cast %get3A_99 : vector<64xf32> to vector<1x64xf32>
    %add3A_127 = vector.broadcast %broadcast_in_dim3A_126 : vector<1x64xf32> to vector<16x64xf32>
    %add3A_128 = arith.addf %mul3A_125, %add3A_127 : vector<16x64xf32>
    %max3A_129 = arith.constant 0.000000e+00 : f32
    %max3A_130 = vector.broadcast %max3A_129 : f32 to vector<16x64xf32>
    %max3A_131 = arith.maximumf %add3A_128, %max3A_130 : vector<16x64xf32>
    %get3A_132 = arith.constant 0 : index
    %get3A_133 = arith.constant 0 : index
    %get3A_134 = vector.load %arg13[%get3A_132, %get3A_133] : memref<6x64xf32, #tpu.memory_space<vmem>>, vector<6x64xf32>
    %transpose3A_135 = tpu.transpose %get3A_134, [1, 0] : vector<6x64xf32> -> vector<64x6xf32>
    %dot_general3A_136 = arith.constant dense<0.000000e+00> : vector<16x6xf32>
    %dot_general3A_137 = tpu.matmul %max3A_131, %transpose3A_135, %dot_general3A_136 {dimension_numbers = #tpu.dot_dimension_numbers<[1], [0], [0], [1], [0, 0, 1, 1], [], []>, transpose_lhs_hint = false} : vector<16x64xf32>, vector<64x6xf32>, vector<16x6xf32> -> vector<16x6xf32>
    %get3A_138 = arith.constant 0 : index
    %get3A_139 = vector.load %arg14[%get3A_138] : memref<6xf32, #tpu.memory_space<vmem>>, vector<6xf32>
    %broadcast_in_dim3A_140 = vector.shape_cast %get3A_139 : vector<6xf32> to vector<1x6xf32>
    %add3A_141 = vector.broadcast %broadcast_in_dim3A_140 : vector<1x6xf32> to vector<16x6xf32>
    %add3A_142 = arith.addf %dot_general3A_137, %add3A_141 : vector<16x6xf32>
    %swap3A = arith.constant 0 : index
    %swap3A_143 = arith.constant 0 : index
    %swap3A_144 = vector.load %arg15[%swap3A, %swap3A_143] : memref<16x6xf32, #tpu.memory_space<vmem>>, vector<16x6xf32>
    tpu.vector_store %arg15[%swap3A, %swap3A_143], %add3A_142 {strides = array<i32>} : memref<16x6xf32, #tpu.memory_space<vmem>>, vector<16x6xf32>,
    return
  }
}

</mosaic_0001>

<sc_bundles>
// kernel: sparse-core-data-format-call.1.cloned.1.call-start
scs
called_computation.1_lowered:
.L_overlay_start_0:
0x0: {  	s2 =	sld [smem:$0x3FD9]  }
0x1: {  	s3 =	sld [smem:$0x3FFE];
	_ =	sdelay $0x1  }
0x2: {  	s1 =	srdreg.scid  }
0x3: {  	s0 =	sand.u32 $0x1, s1  }
0x4: {  	s18 =	sshll.u32 s0, $0xA;
	s2 =	sadd.s32 s3, s2  }
0x5: {  	s2 =	sadd.s32 s2, s18  }
0x6: {  	[smem:$0x3EF8] =	sst s2  }
0x7: {  	_ = 	snop  }
0x8: {  	(tm) =	ssettm $0x1  }
0x9: {  	s19 =	sld [smem:$0x3FFB];
	_ =	sdelay $0x3  }
0xa: {  	_ =	strace s19  }
0xb: {  	s2 =	sld [smem:$0x3FFC];
	_ =	sdelay $0x3  }
0xc: {  	_ =	strace s2  }
0xd: {  	s2 =	sld [smem:$0x3FFD];
	_ =	sdelay $0x3  }
0xe: {  	_ =	strace s2  }
0xf: {  	_ =	strace $0x8FFFFFFF  }
0x10: {  	s20 =	sld [smem:$0x3FDB];
	_ =	sdelay $0x1  }
0x11: {  	s21 =	simm.s32 $_scs_section_size  }
0x12: {  	s4 =	simm.s32 $_size__tile_overlayer_lowered;
	s5 =	simm.s32 $_tile_overlayer_lowered  }
0x13: {  	s6 =	simm.s32 $0x1BFF;
	s22 =	sshll.u32 s5, $0x1;
	s3 =	sadd.s32 s21, s20  }
0x14: {  	s23 =	simm.s32 $0x0;
	s4 =	sshll.u32 s4, $0x1;
	s5 =	sadd.s32 s22, s3  }
0x15: {  	[timem:s23], [sflag:s6] =	dma.local [hbm:s5], s4  }
0x16: {  	_ =	swait.ge [sflag:s6], s4  }
0x17: {  	s4 =	ssub.s32 $0x0, s4;
	[sflag:s6] =	ssyncset.done $0x0  }
0x18: {  	[sflag:s6] =	ssyncadd.s32 s4;
	_ =	sdelay $0x1  }
0x19: {  	s24 =	simm.s32 $0x1B8B  }
0x1a: {  	_ =	swait.ge [sflag:s24], $0x1  }
0x1b: {  	[sflag:s24] =	ssyncset.done $0x0  }
0x1c: {  	[sflag:s24] =	ssyncadd.s32 $0xFFFFFFFF  }
0x1d: {  	s4 =	sld [smem:$0x0]  }
0x1e: {  	s5 =	sand.u32 $0xFFFFFFFE, s1  }
0x1f: {  	p0 =	sne.s32 s1, s5  }
0x20: {  	s5 =	sshll.u32 @p0 s5, $0xE  }
0x21: {  	s5 =	sadd.s32 @p0 $0x11B8D, s5;
	s6 =	sshll.u32 @p0 s4, $0x11  }
0x22: {  	s5 =	sor.u32 @p0 s6, s5  }
0x23: {  	[sflag:s5] =	ssyncadd.remote.s32 @p0 $0x1;
	_ =	sdelay $0x1  }
0x24: {  	s5 =	simm.s32 @p0 $0x1B8D  }
0x25: {  	_ =	swait.eq @p0 [sflag:s5], $0x1  }
0x26: {  	[sflag:s5] =	ssyncadd.s32 @p0 $0xFFFFFFFF  }
0x27: {  	s6 =	sshll.u32 @!p0 s1, $0xE  }
0x28: {  	s6 =	sor.u32 @!p0 $0x4000, s6;
	s5 =	simm.s32 @!p0 $0x1B8D  }
0x29: {  	s4 =	sshll.u32 @!p0 s4, $0x11;
	s6 =	sadd.s32 @!p0 $0x11B8D, s6;
	_ =	swait.eq @!p0 [sflag:s5], $0x1  }
0x2a: {  	s4 =	sor.u32 @!p0 s4, s6;
	[sflag:s5] =	ssyncadd.s32 @!p0 $0xFFFFFFFF  }
0x2b: {  	s26 =	simm.s32 $0x1B8E;
	s25 =	sld [smem:$0x3FFE];
	[sflag:s4] =	ssyncadd.remote.s32 @!p0 $0x1  }
0x2c: {  	s27 =	simm.s32 $execute0_lowered;
	[smem:$0x3FD2] =	sst s26  }
0x2d: {  	s5 =	sshll.u32 s27, $0x1;
	_ =	strace $0x80000049;
	[dreg:$0x1] =	wrdreg $0xFFFFFFFF  }
0x2e: {  	s28 =	simm.s32 $_size_execute0_lowered;
	s3 =	sadd.s32 s3, s5;
	[dreg:$0x0] =	wrdreg $0x0  }
0x2f: {  	s5 =	sshll.u32 s28, $0x1;
	[dreg:$0x2] =	wrdreg s3  }
0x30: {  	[dreg:$0x3] =	wrdreg s5  }
0x31: {  	[dreg:$0x4] =	wrdreg $0xC0  }
0x32: {  	_ =	task [dreg:s23], $0x5FFFF  }
0x33: {  	[dreg:$0x1] =	wrdreg $0xFFFFFFFF  }
0x34: {  	[dreg:$0x0] =	wrdreg $0x60  }
0x35: {  	[dreg:$0x2] =	wrdreg s25  }
0x36: {  	[dreg:$0x3] =	wrdreg $0x9  }
0x37: {  	_ =	task.clear_ibuf [dreg:s23], $0x4FFFF;
	_ =	strace $0x90000049  }
0x38: {  	s29 =	simm.s32 $0x9;
	_ =	strace $0x8000004B  }
0x39: {  	_ =	swait.ge [sflag:s29], $0x1  }
0x3a: {  	[sflag:s29] =	ssyncadd.s32 $0xFFFFFFFF  }
0x3b: {  	_ =	strace $0x9000004B  }
0x3c: {  	_ =	sfence  }
0x3d: {  	s30 =	sld [smem:$0x0];
	_ =	sdelay $0x2  }
0x3e: {  	s31 =	sshll.u32 s1, $0xD;
	s1 =	sshrl.u32 s1, $0x2  }
0x3f: {  	s4 =	sand.u32 $0x4000, s31;
	s1 =	sadd.s32 s1, s30  }
0x40: {  	s0 =	sor.u32 s4, s0;
	s1 =	sshll.u32 s1, $0x11  }
0x41: {  	s0 =	sor.u32 s1, s0  }
0x42: {  	s0 =	sadd.s32 $0x8F2B, s0  }
0x43: {  	[sflag:s0] =	ssyncadd.remote.s32 $0x1  }
0x44: {  	_ =	sfence.sel $0xFFFF  }
0x45: {  	[dreg:$0x0] =	wrdreg $0xFFFFFFFF;
	(pc) =	sbr.abs _section_cstart, $3  }
0x46: {  	[dreg:$0x1] =	wrdreg $0xFFFFFFFF  }
0x47: {  	_ =	task.clear_ibuf [dreg:s23], $0x2FFFF;
	_ =	strace $0x9FFFFFFF  }
0x48: {  	(tm) =	ssettm $0x7FFFFFFF  }
0x49: {  	_ =	shalt  }
tec
execute0_lowered:
.L_overlay_start_1:
0x0: {  	(tag) =	ssettag $0x1  }
0x1: {  	s0 =	srdreg.scid;
	s3 =	rddreg [dreg:$0x0];
	s5 =	simm.s32 $0x1  }
0x2: {  	s7 =	simm.s32 $0x2;
	s15 =	simm.s32 $0x0;
	p0 =	por $0x0, $0x0  }
0x3: {  	s8 =	simm.s32 $0x1000;
	s13 =	simm.s32 $0x0;
	s1 =	sshll.u32 s0, $0x7  }
0x4: {  	s14 =	simm.s32 $0x0;
	s9 =	simm.s32 $0x0;
	s1 =	sand.u32 $0x80, s1  }
0x5: {  	s0 =	rddreg [dreg:$0x1];
	_ =	strace $0x8000004A;
	s6 =	ssub.s32 $0x200, s1  }
.Ltmp0:
0x6: {  	s2 =	sadd.s32 $0x250400, s3;
	s31 =	sshrl.u32 s6, $0x7;
	(pc) =	sbr.rel .LBB1_1-.Ltmp0, $4  }
0x7: {  	s4 =	sadd.s32 $0x350400, s3;
	s6 =	sshrl.u32 s6, $0x8;
	s3 =	sand.u32 $0x1, s31  }
0x8: {  	s11 =	stileid.u32;
	[sflag:s5] =	ssyncpa.u1 $0x0;
	s6 =	sadd.s32 s6, s3  }
0x9: {  	s12 =	simm.s32 $0x0;
	[sflag:s7] =	ssyncpa.u1 $0x0;
	s6 =	sshll.u32 s6, $0x3  }
0xa: {  	s10 =	smov.u32 s1;
	s3 =	stileid.u32;
	s7 =	sor.u32 $0x1, s6  }
.LBB1_4:
0xb: {  	v5 =	vld [tilespmem:s18+$0xFFFFFFD0];
	[tilespmem:s19+$0x2040 ss:$0x81] =	vst.msk $0xffff, v1  }
0xc: {  	v58 =	vld [tilespmem:s18+$0xFFFFFFE0];
	[tilespmem:s19+$0x2850 ss:$0x81] =	vst.msk $0xffff, v2  }
0xd: {  	s20 =	sshra.s32 s20, $0x2;
	v59 =	vld [tilespmem:s18+$0xFFFFFFF0];
	[tilespmem:s19+$0x3060 ss:$0x81] =	vst.msk $0xffff, v3  }
0xe: {  	v60 =	vld [tilespmem:s18+$0x0];
	[tilespmem:s19+$0x0 ss:$0x81] =	vst.msk $0xffff, v0;
	s17 =	sadd.s32 s20, s17  }
0xf: {  	v61 =	vld [tilespmem:s18+$0x10];
	s25 =	sshll.u32 s15, $0x9;
	[tilespmem:s17+$0x3870 ss:$0x81] =	vst.msk $0xffff, v4  }
0x10: {  	s26 =	sshll.u32 s13, $0x3;
	v62 =	vld [tilespmem:s18+$0x20];
	s27 =	sshll.u32 s15, $0x7;
	s30 =	sand.u32 $0x78, s13;
	[tilespmem:s17+$0x810 ss:$0x81] =	vst.msk $0xffff, v5  }
0x11: {  	v63 =	vld [tilespmem:s18+$0xFFFFFFC0];
	s14 =	sshll.u32 s14, $0x10;
	s19 =	sand.u32 $0x7F000, s25;
	s20 =	sand.u32 $0x7FC00, s26;
	[tilespmem:s17+$0x1020 ss:$0x81] =	vst.msk $0xffff, v58  }
0x12: {  	s29 =	sand.u32 $0x200, s27;
	s15 =	sand.u32 $0x180, s27;
	s28 =	sadd.s32 s20, s19;
	[tilespmem:s17+$0x1830 ss:$0x81] =	vst.msk $0xffff, v59  }
0x13: {  	s31 =	sand.u32 $0x7, s13;
	s15 =	sor.u32 s30, s15;
	s18 =	sor.u32 s29, s28;
	[tilespmem:s17+$0x2040 ss:$0x81] =	vst.msk $0xffff, v60  }
0x14: {  	s14 =	sadd.s32 s4, s14;
	s15 =	sshrl.u32 s15, $0x3;
	s18 =	sshrl.u32 s18, $0x3;
	[tilespmem:s17+$0x2850 ss:$0x81] =	vst.msk $0xffff, v61  }
0x15: {  	s13 =	sshll.u32 s31, $0x12;
	s14 =	sadd.s32 s15, s14;
	[tilespmem:s17+$0x3060 ss:$0x81] =	vst.msk $0xffff, v62;
	s18 =	sand.u32 $0xFFC0, s18  }
0x16: {  	s13 =	sor.u32 $0x400, s13;
	[tilespmem:s17+$0x0 ss:$0x81] =	vst.msk $0xffff, v63;
	s14 =	sadd.s32 s18, s14  }
0x17: {  	[hbm4b:s14+s13] =	stream.strided.scatter [tilespmem:s16], [sflag:$0x2], $0x4000, s8, s13, $0x20;
	[tilespmem:$0x10100] =	vst v63  }
.LBB1_5:
0x18: {  	s16 =	sadd.s32 $0x80, s9  }
0x19: {  	s13 =	sadd.s32 $0x100, s10;
	s17 =	smov.u32 s10;
	p2 =	sgt.s32 s16, $0x3FF  }
0x1a: {  	s17 =	smov.u32 @p2 s13  }
0x1b: {  	s19 =	smov.u32 s11;
	s13 =	sadd.s32 $0x10, s11;
	p3 =	sgt.s32 s17, $0x1FF  }
0x1c: {  	s19 =	smov.u32 @p3 s13  }
0x1d: {  	s16 =	simm.s32 @p2 $0x0;
	p2 =	sgt.s32 s19, $0xF  }
0x1e: {  	p1 =	slt.u32 s12, $0x2;
	s19 =	smov.u32 @p2 s3;
	p2 =	sne.s32 s12, s7  }
.Ltmp1:
0x1f: {  	s18 =	simm.s32 @!p1 $0x2;
	(pc) =	sbr.rel @!p2 .LBB1_6-.Ltmp1, $4  }
0x20: {  	s15 =	smov.u32 s9;
	s14 =	smov.u32 s11;
	_ =	swait.ge @!p1 [sflag:s18], $0x4000  }
0x21: {  	p0 =	por !p0, !p0;
	[sflag:s18] =	ssyncset.done @!p1 $0x0;
	s9 =	smov.u32 s16  }
0x22: {  	s17 =	smov.u32 @p3 s1;
	s13 =	smov.u32 s10;
	[sflag:s18] =	ssyncadd.s32 @!p1 $0xFFFFC000  }
0x23: {  	s10 =	smov.u32 s17;
	s12 =	sadd.s32 $0x1, s12;
	s11 =	smov.u32 s19  }
.LBB1_1:
0x24: {  	p1 =	sge.u32 s12, s6  }
0x25: {  	s31 =	sadd.s32 $0xFFFFFFFF, s12;
	s16 =	sshll.u32 @!p1 s10, $0x7  }
0x26: {  	s17 =	sxor.u32 @!p1 $0xFFFFFFFF, s12;
	s18 =	sand.u32 @!p1 $0x78, s9;
	s19 =	sand.u32 @!p1 $0x380, s16  }
0x27: {  	s17 =	sshll.u32 @!p1 s17, $0xE;
	s18 =	sor.u32 @!p1 s18, s19;
	s19 =	sshll.u32 @!p1 s11, $0x10  }
0x28: {  	s16 =	sand.u32 @!p1 $0xFC00, s16;
	s18 =	sshrl.u32 @!p1 s18, $0x3;
	s19 =	sadd.s32 @!p1 s2, s19  }
0x29: {  	s16 =	sadd.s32 @!p1 s9, s16;
	s18 =	sadd.s32 @!p1 s18, s19;
	s19 =	sand.u32 @!p1 $0x7, s9  }
0x2a: {  	s17 =	sand.u32 @!p1 $0x4000, s17;
	s16 =	sand.u32 @!p1 $0xFF80, s16;
	s19 =	sshll.u32 @!p1 s19, $0x12  }
0x2b: {  	s16 =	sadd.s32 @!p1 s16, s18;
	s18 =	sor.u32 @!p1 $0x400, s19;
	s19 =	simm.s32 @!p1 $0x2000  }
0x2c: {  	[tilespmem:s17], [sflag:$0x1] =	stream.strided.gather @!p1 [hbm4b:s16+s18], $0x4000, s19, s18, $0x38;
	[tilespmem:$0x10100] =	vst v63  }
0x2d: {  	p1 =	sge.u32 s31, s6  }
.Ltmp2:
0x2e: {  	_ = 	snop;
	(pc) =	sbr.rel @p1 .LBB1_5-.Ltmp2, $1  }
0x2f: {  	_ =	sdelay $0x3  }
0x30: {  	s16 =	simm.s32 $0x1  }
0x31: {  	_ =	swait.ge [sflag:s5], $0x4000;
	s16 =	simm.s32 @!p0 $0x0  }
0x32: {  	[sflag:s5] =	ssyncset.done $0x0;
	s17 =	sshll.u32 s16, $0xE  }
0x33: {  	[sflag:s5] =	ssyncadd.s32 $0xFFFFC000;
	s18 =	sor.u32 $0x40, s17  }
0x34: {  	s16 =	smul.u32 $0x10200, s16;
	v0 =	vld [tilespmem:s18+$0x30]  }
0x35: {  	v3 =	vld [tilespmem:s18+$0xFFFFFFD0]  }
0x36: {  	s16 =	sshrl.u32 s16, $0x2;
	v4 =	vld [tilespmem:s18+$0xFFFFFFE0]  }
0x37: {  	v5 =	vld [tilespmem:s18+$0xFFFFFFF0];
	s17 =	sor.u32 $0x8000, s16  }
0x38: {  	s31 =	sand.u32 $0x1, s12;
	v1 =	vld [tilespmem:s18+$0x0];
	s19 =	sadd.s32 $0x0, s17  }
0x39: {  	v2 =	vld [tilespmem:s18+$0x10];
	s16 =	smul.u32 $0x10200, s31;
	[tilespmem:s19+$0x3870 ss:$0x81] =	vst.msk $0xffff, v0  }
0x3a: {  	[tilespmem:s19+$0x810 ss:$0x81] =	vst.msk $0xffff, v3;
	v3 =	vld [tilespmem:s18+$0x20]  }
0x3b: {  	s16 =	sshrl.u32 s16, $0x2;
	v0 =	vld [tilespmem:s18+$0xFFFFFFC0];
	[tilespmem:s19+$0x1020 ss:$0x81] =	vst.msk $0xffff, v4;
	s18 =	sadd.s32 $0x80, s18  }
0x3c: {  	s20 =	simm.s32 $0x4;
	s21 =	simm.s32 $0x8;
	s16 =	sor.u32 $0x8000, s16;
	[tilespmem:s19+$0x1830 ss:$0x81] =	vst.msk $0xffff, v5;
	v4 =	vld [tilespmem:s18+$0x30]  }
.LBB1_3:
0x3d: {  	p1 =	sne.s32 s21, $0x1FC;
	v5 =	vld [tilespmem:s18+$0xFFFFFFD0];
	[tilespmem:s19+$0x2040 ss:$0x81] =	vst.msk $0xffff, v1  }
0x3e: {  	v6 =	vld [tilespmem:s18+$0xFFFFFFE0];
	[tilespmem:s19+$0x2850 ss:$0x81] =	vst.msk $0xffff, v2  }
0x3f: {  	s22 =	sshra.s32 s20, $0x2;
	s20 =	smov.u32 s21;
	v7 =	vld [tilespmem:s18+$0xFFFFFFF0];
	[tilespmem:s19+$0x3060 ss:$0x81] =	vst.msk $0xffff, v3  }
.Ltmp3:
0x40: {  	v1 =	vld [tilespmem:s18+$0x0];
	[tilespmem:s19+$0x0 ss:$0x81] =	vst.msk $0xffff, v0;
	s19 =	sadd.s32 s22, s17;
	(pc) =	sbr.rel @p1 .LBB1_3-.Ltmp3, $4  }
0x41: {  	v2 =	vld [tilespmem:s18+$0x10];
	[tilespmem:s19+$0x3870 ss:$0x81] =	vst.msk $0xffff, v4  }
0x42: {  	[tilespmem:s19+$0x810 ss:$0x81] =	vst.msk $0xffff, v5;
	v3 =	vld [tilespmem:s18+$0x20]  }
0x43: {  	v0 =	vld [tilespmem:s18+$0xFFFFFFC0];
	[tilespmem:s19+$0x1020 ss:$0x81] =	vst.msk $0xffff, v6;
	s18 =	sadd.s32 $0x80, s18  }
0x44: {  	s21 =	sadd.s32 $0x4, s21;
	v4 =	vld [tilespmem:s18+$0x30];
	[tilespmem:s19+$0x1830 ss:$0x81] =	vst.msk $0xffff, v7  }
.Ltmp4:
0x45: {  	_ = 	snop;
	(pc) =	sbr.rel .LBB1_4-.Ltmp4, $1  }
0x46: {  	_ =	sdelay $0x3  }
.LBB1_6:
0x47: {  	_ =	sfence.sel $0x180000  }
0x48: {  	s1 =	simm.s32 $0x1;
	[bflag:$0x0] =	sbarrier.arrive $0xFFFF  }
0x49: {  	s31 =	simm.s32 $0x2;
	[sflag:s1] =	ssyncpa.u1 $0x1  }
0x4a: {  	[sflag:s31] =	ssyncpa.u1 $0x1  }
0x4b: {  	p0 =	sne.s32 s3, $0x0;
	_ =	strace $0x9000004A  }
0x4c: {  	s0 =	sadd.s32 @!p0 $0x100000, s0;
	[bflag:$0x2] =	sbarrier.arrive $0xFFFF  }
0x4d: {  	[sflag:s0] =	ssyncadd.tile.s32 @!p0 $0x1;
	_ =	shalt  }
.Lfunc_end1:
_tile_overlayer_lowered:
.L_overlay_start_2:
0x4e: {  	(tag) =	ssettag $0x2  }
0x4f: {  	s0 =	rddreg [dreg:$0x0];
	s2 =	stileid.u32  }
0x50: {  	s1 =	rddreg [dreg:$0x1];
	p0 =	sne.s32 s2, $0x0  }
0x51: {  	s3 =	rddreg [dreg:$0x2];
	[bflag:$0x3] =	sbarrier.arrive $0xFFFF;
	s2 =	simm.s32 @!p0 $0x1C01  }
0x52: {  	[timem:s3], [sflag:s2] =	dma.local @!p0 [hbm:s0], s1  }
0x53: {  	s0 =	simm.s32 @!p0 $0x1  }
0x54: {  	_ =	swait.ge @!p0 [sflag:s0], s1  }
0x55: {  	s1 =	ssub.s32 @!p0 $0x0, s1;
	[sflag:s0] =	ssyncset.done @!p0 $0x0  }
0x56: {  	[sflag:s0] =	ssyncadd.s32 @!p0 s1  }
0x57: {  	[bflag:$0x3] =	sbarrier.arrive $0xFFFF  }
0x58: {  	_ =	shalt  }

// kernel: sparse-core-data-format-call.2.cloned.1.call-start
scs
called_computation.2_lowered:
.L_overlay_start_0:
0x0: {  	s2 =	sld [smem:$0x3FD9]  }
0x1: {  	s3 =	sld [smem:$0x3FFE];
	_ =	sdelay $0x1  }
0x2: {  	s1 =	srdreg.scid  }
0x3: {  	s0 =	sand.u32 $0x1, s1  }
0x4: {  	s18 =	sshll.u32 s0, $0xA;
	s2 =	sadd.s32 s3, s2  }
0x5: {  	s2 =	sadd.s32 s2, s18  }
0x6: {  	[smem:$0x3EF8] =	sst s2  }
0x7: {  	_ = 	snop  }
0x8: {  	(tm) =	ssettm $0x1  }
0x9: {  	s19 =	sld [smem:$0x3FFB];
	_ =	sdelay $0x3  }
0xa: {  	_ =	strace s19  }
0xb: {  	s2 =	sld [smem:$0x3FFC];
	_ =	sdelay $0x3  }
0xc: {  	_ =	strace s2  }
0xd: {  	s2 =	sld [smem:$0x3FFD];
	_ =	sdelay $0x3  }
0xe: {  	_ =	strace s2  }
0xf: {  	_ =	strace $0x8FFFFFFF  }
0x10: {  	s20 =	sld [smem:$0x3FDB];
	_ =	sdelay $0x1  }
0x11: {  	s21 =	simm.s32 $_scs_section_size  }
0x12: {  	s4 =	simm.s32 $_size__tile_overlayer_lowered;
	s5 =	simm.s32 $_tile_overlayer_lowered  }
0x13: {  	s6 =	simm.s32 $0x1BFF;
	s22 =	sshll.u32 s5, $0x1;
	s3 =	sadd.s32 s21, s20  }
0x14: {  	s23 =	simm.s32 $0x0;
	s4 =	sshll.u32 s4, $0x1;
	s5 =	sadd.s32 s22, s3  }
0x15: {  	[timem:s23], [sflag:s6] =	dma.local [hbm:s5], s4  }
0x16: {  	_ =	swait.ge [sflag:s6], s4  }
0x17: {  	s4 =	ssub.s32 $0x0, s4;
	[sflag:s6] =	ssyncset.done $0x0  }
0x18: {  	[sflag:s6] =	ssyncadd.s32 s4;
	_ =	sdelay $0x1  }
0x19: {  	s24 =	simm.s32 $0x1B8B  }
0x1a: {  	_ =	swait.ge [sflag:s24], $0x1  }
0x1b: {  	[sflag:s24] =	ssyncset.done $0x0  }
0x1c: {  	[sflag:s24] =	ssyncadd.s32 $0xFFFFFFFF  }
0x1d: {  	s4 =	sld [smem:$0x0]  }
0x1e: {  	s5 =	sand.u32 $0xFFFFFFFE, s1  }
0x1f: {  	p0 =	sne.s32 s1, s5  }
0x20: {  	s5 =	sshll.u32 @p0 s5, $0xE  }
0x21: {  	s5 =	sadd.s32 @p0 $0x11B8D, s5;
	s6 =	sshll.u32 @p0 s4, $0x11  }
0x22: {  	s5 =	sor.u32 @p0 s6, s5  }
0x23: {  	[sflag:s5] =	ssyncadd.remote.s32 @p0 $0x1;
	_ =	sdelay $0x1  }
0x24: {  	s5 =	simm.s32 @p0 $0x1B8D  }
0x25: {  	_ =	swait.eq @p0 [sflag:s5], $0x1  }
0x26: {  	[sflag:s5] =	ssyncadd.s32 @p0 $0xFFFFFFFF  }
0x27: {  	s6 =	sshll.u32 @!p0 s1, $0xE  }
0x28: {  	s6 =	sor.u32 @!p0 $0x4000, s6;
	s5 =	simm.s32 @!p0 $0x1B8D  }
0x29: {  	s4 =	sshll.u32 @!p0 s4, $0x11;
	s6 =	sadd.s32 @!p0 $0x11B8D, s6;
	_ =	swait.eq @!p0 [sflag:s5], $0x1  }
0x2a: {  	s4 =	sor.u32 @!p0 s4, s6;
	[sflag:s5] =	ssyncadd.s32 @!p0 $0xFFFFFFFF  }
0x2b: {  	s26 =	simm.s32 $0x1B8E;
	s25 =	sld [smem:$0x3FFE];
	[sflag:s4] =	ssyncadd.remote.s32 @!p0 $0x1  }
0x2c: {  	s27 =	simm.s32 $execute0_lowered;
	[smem:$0x3FD2] =	sst s26  }
0x2d: {  	s5 =	sshll.u32 s27, $0x1;
	_ =	strace $0x8000004F;
	[dreg:$0x1] =	wrdreg $0xFFFFFFFF  }
0x2e: {  	s28 =	simm.s32 $_size_execute0_lowered;
	s3 =	sadd.s32 s3, s5;
	[dreg:$0x0] =	wrdreg $0x0  }
0x2f: {  	s5 =	sshll.u32 s28, $0x1;
	[dreg:$0x2] =	wrdreg s3  }
0x30: {  	[dreg:$0x3] =	wrdreg s5  }
0x31: {  	[dreg:$0x4] =	wrdreg $0xC0  }
0x32: {  	_ =	task [dreg:s23], $0x5FFFF  }
0x33: {  	[dreg:$0x1] =	wrdreg $0xFFFFFFFF  }
0x34: {  	[dreg:$0x0] =	wrdreg $0x60  }
0x35: {  	[dreg:$0x2] =	wrdreg s25  }
0x36: {  	[dreg:$0x3] =	wrdreg $0xA  }
0x37: {  	_ =	task.clear_ibuf [dreg:s23], $0x4FFFF;
	_ =	strace $0x9000004F  }
0x38: {  	s29 =	simm.s32 $0xA;
	_ =	strace $0x80000051  }
0x39: {  	_ =	swait.ge [sflag:s29], $0x1  }
0x3a: {  	[sflag:s29] =	ssyncadd.s32 $0xFFFFFFFF  }
0x3b: {  	_ =	strace $0x90000051  }
0x3c: {  	_ =	sfence  }
0x3d: {  	s30 =	sld [smem:$0x0];
	_ =	sdelay $0x2  }
0x3e: {  	s31 =	sshll.u32 s1, $0xD;
	s1 =	sshrl.u32 s1, $0x2  }
0x3f: {  	s4 =	sand.u32 $0x4000, s31;
	s1 =	sadd.s32 s1, s30  }
0x40: {  	s0 =	sor.u32 s4, s0;
	s1 =	sshll.u32 s1, $0x11  }
0x41: {  	s0 =	sor.u32 s1, s0  }
0x42: {  	s0 =	sadd.s32 $0x8F2B, s0  }
0x43: {  	[sflag:s0] =	ssyncadd.remote.s32 $0x1  }
0x44: {  	_ =	sfence.sel $0xFFFF  }
0x45: {  	[dreg:$0x0] =	wrdreg $0xFFFFFFFF;
	(pc) =	sbr.abs _section_cstart, $3  }
0x46: {  	[dreg:$0x1] =	wrdreg $0xFFFFFFFF  }
0x47: {  	_ =	task.clear_ibuf [dreg:s23], $0x2FFFF;
	_ =	strace $0x9FFFFFFF  }
0x48: {  	(tm) =	ssettm $0x7FFFFFFF  }
0x49: {  	_ =	shalt  }
tec
execute0_lowered:
.L_overlay_start_1:
0x0: {  	(tag) =	ssettag $0x1  }
0x1: {  	s0 =	srdreg.scid;
	s3 =	rddreg [dreg:$0x0];
	s5 =	simm.s32 $0x1  }
0x2: {  	s7 =	simm.s32 $0x2;
	s15 =	simm.s32 $0x0;
	s8 =	simm.s32 $0x800  }
0x3: {  	s14 =	simm.s32 $0x0;
	s17 =	simm.s32 $0x0;
	s16 =	simm.s32 $0x0  }
0x4: {  	s9 =	simm.s32 $0x0;
	s10 =	simm.s32 $0x0;
	s1 =	sshll.u32 s0, $0x1  }
0x5: {  	s12 =	stileid.u32;
	s0 =	rddreg [dreg:$0x1];
	s1 =	sand.u32 $0x2, s1  }
.Ltmp0:
0x6: {  	_ =	strace $0x80000050;
	s6 =	ssub.s32 $0x20, s1;
	(pc) =	sbr.rel .LBB1_1-.Ltmp0, $4  }
0x7: {  	s2 =	sadd.s32 $0x87A000, s3;
	s4 =	sadd.s32 $0x97A000, s3;
	s31 =	sshrl.u32 s6, $0x1  }
0x8: {  	[sflag:s5] =	ssyncpa.u1 $0x0;
	s6 =	sand.u32 $0x2, s6;
	s3 =	sand.u32 $0x1E, s31  }
0x9: {  	s13 =	simm.s32 $0x0;
	[sflag:s7] =	ssyncpa.u1 $0x0;
	s6 =	sadd.s32 s6, s3  }
0xa: {  	s11 =	smov.u32 s1;
	s3 =	stileid.u32;
	s7 =	sor.u32 $0x1, s6  }
.LBB1_7:
0xb: {  	s18 =	sadd.s32 $0x100, s9  }
0xc: {  	s14 =	sadd.s32 $0x40, s10;
	s19 =	smov.u32 s10;
	p1 =	sgt.s32 s18, $0x1FF  }
0xd: {  	s19 =	smov.u32 @p1 s14  }
0xe: {  	s20 =	smov.u32 s11;
	s14 =	sadd.s32 $0x4, s11;
	p2 =	sgt.s32 s19, $0x3F  }
0xf: {  	s20 =	smov.u32 @p2 s14  }
0x10: {  	s21 =	smov.u32 s12;
	s14 =	sadd.s32 $0x10, s12;
	p3 =	sgt.s32 s20, $0x1F  }
0x11: {  	s21 =	smov.u32 @p3 s14  }
0x12: {  	p0 =	slt.u32 s13, $0x2;
	s18 =	simm.s32 @p1 $0x0;
	p1 =	sgt.s32 s21, $0xF  }
0x13: {  	s22 =	simm.s32 @!p0 $0x2;
	s21 =	smov.u32 @p1 s3;
	p1 =	sne.s32 s13, s7  }
.Ltmp1:
0x14: {  	s15 =	smov.u32 s9;
	_ =	swait.ge @!p0 [sflag:s22], $0x4000;
	(pc) =	sbr.rel @!p1 .LBB1_8-.Ltmp1, $4  }
0x15: {  	s17 =	smov.u32 s11;
	s16 =	smov.u32 s12;
	[sflag:s22] =	ssyncset.done @!p0 $0x0  }
0x16: {  	s9 =	smov.u32 s18;
	s19 =	simm.s32 @p2 $0x0;
	[sflag:s22] =	ssyncadd.s32 @!p0 $0xFFFFC000  }
0x17: {  	s20 =	smov.u32 @p3 s1;
	s14 =	smov.u32 s10;
	s10 =	smov.u32 s19  }
0x18: {  	s11 =	smov.u32 s20;
	s13 =	sadd.s32 $0x1, s13;
	s12 =	smov.u32 s21  }
.LBB1_1:
0x19: {  	p0 =	sge.u32 s13, s6  }
0x1a: {  	s18 =	sshll.u32 @!p0 s10, $0x9;
	s19 =	sshll.u32 @!p0 s9, $0x4  }
0x1b: {  	s20 =	sshll.u32 @!p0 s10, $0x7;
	s18 =	sand.u32 @!p0 $0x6000, s18;
	s19 =	sand.u32 @!p0 $0x7800, s19  }
0x1c: {  	s31 =	sadd.s32 $0xFFFFFFFF, s13;
	s18 =	sadd.s32 @!p0 s18, s19;
	s19 =	sand.u32 @!p0 $0x600, s20  }
0x1d: {  	s21 =	sxor.u32 @!p0 $0xFFFFFFFF, s13;
	s18 =	sor.u32 @!p0 s19, s18;
	s19 =	sshll.u32 @!p0 s9, $0x1  }
0x1e: {  	s22 =	sshll.u32 @!p0 s12, $0x10;
	s20 =	sand.u32 @!p0 $0x100, s20;
	s19 =	sand.u32 @!p0 $0xF0, s19  }
0x1f: {  	s22 =	sadd.s32 @!p0 s2, s22;
	s19 =	sor.u32 @!p0 s20, s19;
	s20 =	sshll.u32 @!p0 s11, $0xB  }
0x20: {  	s18 =	sshrl.u32 @!p0 s18, $0x4;
	s19 =	sshrl.u32 @!p0 s19, $0x4;
	s20 =	sadd.s32 @!p0 s20, s22  }
0x21: {  	s18 =	sand.u32 @!p0 $0x7E0, s18;
	s19 =	sadd.s32 @!p0 s19, s20;
	s20 =	sand.u32 @!p0 $0x7, s9  }
0x22: {  	s18 =	sadd.s32 @!p0 s18, s19;
	s19 =	sshll.u32 @!p0 s21, $0xE;
	s20 =	sshll.u32 @!p0 s20, $0x12  }
0x23: {  	s21 =	simm.s32 @!p0 $0x1000;
	s19 =	sand.u32 @!p0 $0x4000, s19;
	s20 =	sor.u32 @!p0 $0x800, s20  }
0x24: {  	[tilespmem:s19], [sflag:$0x1] =	stream.strided.gather @!p0 [hbm4b:s18+s20], $0x4000, s21, s20, $0x38;
	[tilespmem:$0x10200] =	vst v63  }
0x25: {  	p0 =	sge.u32 s31, s6  }
.Ltmp2:
0x26: {  	_ = 	snop;
	(pc) =	sbr.rel @p0 .LBB1_7-.Ltmp2, $1  }
0x27: {  	_ =	sdelay $0x3  }
0x28: {  	s18 =	sand.u32 $0x1, s13  }
0x29: {  	_ =	swait.ge [sflag:s5], $0x4000;
	s19 =	smul.u32 $0x10400, s18  }
0x2a: {  	[sflag:s5] =	ssyncset.done $0x0  }
0x2b: {  	[sflag:s5] =	ssyncadd.s32 $0xFFFFC000;
	s20 =	sshrl.u32 s19, $0x2  }
0x2c: {  	s19 =	sshll.u32 s18, $0xE;
	s18 =	sor.u32 $0x8000, s20;
	s20 =	simm.s32 $0x0  }
.LBB1_3:
0x2d: {  	s21 =	sshll.u32 s20, $0x7  }
0x2e: {  	s22 =	sshll.u32 s20, $0x6;
	s21 =	sand.u32 $0x1800, s21  }
0x2f: {  	s22 =	sand.u32 $0x380, s22;
	s21 =	sadd.s32 s21, s19  }
0x30: {  	s24 =	sadd.s32 s22, s21  }
0x31: {  	s23 =	sshll.u32 s20, $0x1;
	v0 =	vmov s24  }
0x32: {  	p0 =	por $0x1, $0x1;
	s31 =	sor.u32 $0x2, s23  }
0x33: {  	s21 =	sshrl.u32 s23, $0x1;
	s22 =	sshrl.u32 s31, $0x1;
	s23 =	simm.s32 $0x0  }
.LBB1_4:
0x34: {  	s24 =	sshll.u32 s23, $0x3  }
0x35: {  	s24 =	sand.u32 $0x3FFFFFF8, s24  }
0x36: {  	v1 =	vld.idx.msk [tilespmem:v0+s24+$0x0 ss:$0x1], $0xffff  }
0x37: {  	v2 =	vld.idx.msk [tilespmem:v0+s24+$0x2000 ss:$0x1], $0xffff  }
0x38: {  	v3 =	vld.idx.msk [tilespmem:v0+s24+$0x10 ss:$0x1], $0xffff  }
0x39: {  	s29 =	smul.u32 $0x104, s23;
	v4 =	vld.idx.msk [tilespmem:v0+s24+$0x2010 ss:$0x1], $0xffff  }
0x3a: {  	v5 =	vld.idx.msk [tilespmem:v0+s24+$0x20 ss:$0x1], $0xffff  }
0x3b: {  	s23 =	sshra.s32 s29, $0x2;
	v6 =	vld.idx.msk [tilespmem:v0+s24+$0x2020 ss:$0x1], $0xffff  }
0x3c: {  	v9 =	vld.idx.msk [tilespmem:v0+s24+$0x30 ss:$0x1], $0xffff;
	s23 =	sadd.s32 s23, s18;
	v7 =	vunpack.i.l.s16.s32 v1;
	v8 =	vunpack.i.l.s16.s32 v2  }
0x3d: {  	v51 =	vld.idx.msk [tilespmem:v0+s24+$0x2030 ss:$0x1], $0xffff;
	s25 =	sadd.s32 s21, s23;
	v1 =	vunpack.i.u.s16.s32 v1;
	v2 =	vunpack.i.u.s16.s32 v2;
	v7 =	vpack.i.b32.b16 v8, v7  }
0x3e: {  	v10 =	vld.idx.msk [tilespmem:v0+s24+$0x40 ss:$0x1], $0xffff;
	s30 =	sadd.s32 s22, s23;
	s26 =	sadd.s32 $0x410, s23;
	v52 =	vunpack.i.l.s16.s32 v4;
	v1 =	vpack.i.b32.b16 v2, v1;
	v2 =	vunpack.i.l.s16.s32 v3;
	[tilespmem:s25+$0x0 ss:$0x41] =	vst.msk $0xffff, v7  }
0x3f: {  	v53 =	vld.idx.msk [tilespmem:v0+s24+$0x2040 ss:$0x1], $0xffff;
	s31 =	sadd.s32 s21, s26;
	v2 =	vpack.i.b32.b16 v52, v2;
	[tilespmem:s30+$0x0 ss:$0x41] =	vst.msk $0xffff, v1;
	v1 =	vunpack.i.u.s16.s32 v3;
	v3 =	vunpack.i.u.s16.s32 v4  }
0x40: {  	v54 =	vld.idx.msk [tilespmem:v0+s24+$0x50 ss:$0x1], $0xffff;
	s27 =	sadd.s32 $0x820, s23;
	s26 =	sadd.s32 s22, s26;
	[tilespmem:s31+$0x0 ss:$0x41] =	vst.msk $0xffff, v2;
	v2 =	vunpack.i.l.s16.s32 v5;
	v1 =	vpack.i.b32.b16 v3, v1;
	v3 =	vunpack.i.l.s16.s32 v6  }
0x41: {  	s28 =	sadd.s32 s21, s27;
	v55 =	vunpack.i.u.s16.s32 v6;
	[tilespmem:s26+$0x0 ss:$0x41] =	vst.msk $0xffff, v1;
	v1 =	vunpack.i.u.s16.s32 v5;
	v2 =	vpack.i.b32.b16 v3, v2;
	v3 =	vld.idx.msk [tilespmem:v0+s24+$0x2050 ss:$0x1], $0xffff  }
0x42: {  	v57 =	vld.idx.msk [tilespmem:v0+s24+$0x60 ss:$0x1], $0xffff;
	s29 =	sadd.s32 s22, s27;
	v56 =	vunpack.i.l.s16.s32 v51;
	s30 =	sadd.s32 $0xC30, s23;
	[tilespmem:s28+$0x0 ss:$0x41] =	vst.msk $0xffff, v2;
	v1 =	vpack.i.b32.b16 v55, v1;
	v2 =	vunpack.i.l.s16.s32 v9  }
0x43: {  	v58 =	vld.idx.msk [tilespmem:v0+s24+$0x2060 ss:$0x1], $0xffff;
	v8 =	vunpack.i.u.s16.s32 v51;
	s31 =	sadd.s32 s21, s30;
	[tilespmem:s29+$0x0 ss:$0x41] =	vst.msk $0xffff, v1;
	v1 =	vunpack.i.u.s16.s32 v9;
	v2 =	vpack.i.b32.b16 v56, v2  }
0x44: {  	v60 =	vld.idx.msk [tilespmem:v0+s24+$0x70 ss:$0x1], $0xffff;
	v59 =	vunpack.i.l.s16.s32 v53;
	s27 =	sadd.s32 s22, s30;
	s28 =	sadd.s32 $0x1040, s23;
	[tilespmem:s31+$0x0 ss:$0x41] =	vst.msk $0xffff, v2;
	v1 =	vpack.i.b32.b16 v8, v1;
	v2 =	vunpack.i.l.s16.s32 v10  }
0x45: {  	v61 =	vld.idx.msk [tilespmem:v0+s24+$0x2070 ss:$0x1], $0xffff;
	v4 =	vunpack.i.u.s16.s32 v53;
	s29 =	sadd.s32 s21, s28;
	[tilespmem:s27+$0x0 ss:$0x41] =	vst.msk $0xffff, v1;
	v1 =	vunpack.i.u.s16.s32 v10;
	v2 =	vpack.i.b32.b16 v59, v2  }
0x46: {  	s30 =	sadd.s32 s22, s28;
	s31 =	sadd.s32 $0x1450, s23;
	[tilespmem:s29+$0x0 ss:$0x41] =	vst.msk $0xffff, v2;
	v1 =	vpack.i.b32.b16 v4, v1;
	v2 =	vunpack.i.l.s16.s32 v54;
	v62 =	vunpack.i.l.s16.s32 v3  }
0x47: {  	s26 =	sadd.s32 s21, s31;
	v3 =	vunpack.i.u.s16.s32 v3;
	[tilespmem:s30+$0x0 ss:$0x41] =	vst.msk $0xffff, v1;
	v1 =	vpack.i.b32.b16 v62, v2;
	v2 =	vunpack.i.u.s16.s32 v54  }
0x48: {  	p1 =	por p0, p0;
	s28 =	sadd.s32 $0x1860, s23;
	s27 =	sadd.s32 s22, s31;
	[tilespmem:s26+$0x0 ss:$0x41] =	vst.msk $0xffff, v1;
	v1 =	vpack.i.b32.b16 v3, v2;
	v2 =	vunpack.i.l.s16.s32 v57;
	v3 =	vunpack.i.l.s16.s32 v58  }
.Ltmp3:
0x49: {  	s29 =	sadd.s32 s21, s28;
	[tilespmem:s27+$0x0 ss:$0x41] =	vst.msk $0xffff, v1;
	v1 =	vpack.i.b32.b16 v3, v2;
	v2 =	vunpack.i.u.s16.s32 v57;
	v3 =	vunpack.i.u.s16.s32 v58;
	(pc) =	sbr.rel @p1 .LBB1_4-.Ltmp3, $4  }
0x4a: {  	s23 =	sadd.s32 $0x1C70, s23;
	s30 =	sadd.s32 s22, s28;
	[tilespmem:s29+$0x0 ss:$0x41] =	vst.msk $0xffff, v1;
	v1 =	vpack.i.b32.b16 v3, v2;
	v2 =	vunpack.i.l.s16.s32 v60;
	v3 =	vunpack.i.l.s16.s32 v61  }
0x4b: {  	v63 =	vunpack.i.u.s16.s32 v61;
	s31 =	sadd.s32 s21, s23;
	[tilespmem:s30+$0x0 ss:$0x41] =	vst.msk $0xffff, v1;
	v1 =	vunpack.i.u.s16.s32 v60;
	v2 =	vpack.i.b32.b16 v3, v2  }
0x4c: {  	s23 =	sadd.s32 s22, s23;
	[tilespmem:s31+$0x0 ss:$0x41] =	vst.msk $0xffff, v2;
	v1 =	vpack.i.b32.b16 v63, v1  }
0x4d: {  	p0 =	por $0x0, $0x0;
	[tilespmem:s23+$0x0 ss:$0x41] =	vst.msk $0xffff, v1;
	s23 =	simm.s32 $0x80  }
0x4e: {  	p0 =	slt.u32 s20, $0x3E  }
.Ltmp4:
0x4f: {  	_ = 	snop;
	(pc) =	sbr.rel @p0 .LBB1_3-.Ltmp4, $3  }
0x50: {  	_ =	sdelay $0x1  }
0x51: {  	s21 =	sadd.s32 $0x2, s20  }
0x52: {  	s20 =	smov.u32 s21  }
0x53: {  	s17 =	sshll.u32 s17, $0x7  }
0x54: {  	s19 =	sshll.u32 s14, $0x4;
	s27 =	sshll.u32 s14, $0x1;
	s16 =	sshll.u32 s16, $0x11  }
0x55: {  	s15 =	sshll.u32 s15, $0x8;
	s20 =	sand.u32 $0x800, s17;
	s19 =	sand.u32 $0x800, s19  }
0x56: {  	s29 =	sshrl.u32 s14, $0x3;
	s17 =	sand.u32 $0x700, s17;
	s19 =	sadd.s32 s20, s19  }
0x57: {  	s30 =	sand.u32 $0x7, s14;
	s28 =	sand.u32 $0x80, s27;
	s17 =	sor.u32 s17, s19  }
.Ltmp5:
0x58: {  	s16 =	sadd.s32 s4, s16;
	s17 =	sor.u32 s28, s17;
	(pc) =	sbr.rel .LBB1_7-.Ltmp5, $4  }
0x59: {  	s15 =	sadd.s32 s15, s16;
	s19 =	sand.u32 $0x7, s29;
	s17 =	sshrl.u32 s17, $0x4  }
0x5a: {  	s14 =	sshll.u32 s30, $0x12;
	s15 =	sadd.s32 s19, s15;
	s31 =	sand.u32 $0xF8, s17  }
0x5b: {  	s14 =	sor.u32 $0x40, s14;
	s15 =	sadd.s32 s31, s15  }
0x5c: {  	[hbm4b:s15+s14] =	stream.strided.scatter [tilespmem:s18], [sflag:$0x2], $0x4000, s8, s14, $0x18;
	[tilespmem:$0x10200] =	vst v63  }
.LBB1_8:
0x5d: {  	_ =	sfence.sel $0x180000  }
0x5e: {  	s1 =	simm.s32 $0x1;
	[bflag:$0x0] =	sbarrier.arrive $0xFFFF  }
0x5f: {  	s31 =	simm.s32 $0x2;
	[sflag:s1] =	ssyncpa.u1 $0x1  }
0x60: {  	[sflag:s31] =	ssyncpa.u1 $0x1  }
0x61: {  	p0 =	sne.s32 s3, $0x0;
	_ =	strace $0x90000050  }
0x62: {  	s0 =	sadd.s32 @!p0 $0x100000, s0;
	[bflag:$0x2] =	sbarrier.arrive $0xFFFF  }
0x63: {  	[sflag:s0] =	ssyncadd.tile.s32 @!p0 $0x1;
	_ =	shalt  }
.Lfunc_end1:
_tile_overlayer_lowered:
.L_overlay_start_2:
0x64: {  	(tag) =	ssettag $0x2  }
0x65: {  	s0 =	rddreg [dreg:$0x0];
	s2 =	stileid.u32  }
0x66: {  	s1 =	rddreg [dreg:$0x1];
	p0 =	sne.s32 s2, $0x0  }
0x67: {  	s3 =	rddreg [dreg:$0x2];
	[bflag:$0x3] =	sbarrier.arrive $0xFFFF;
	s2 =	simm.s32 @!p0 $0x1C01  }
0x68: {  	[timem:s3], [sflag:s2] =	dma.local @!p0 [hbm:s0], s1  }
0x69: {  	s0 =	simm.s32 @!p0 $0x1  }
0x6a: {  	_ =	swait.ge @!p0 [sflag:s0], s1  }
0x6b: {  	s1 =	ssub.s32 @!p0 $0x0, s1;
	[sflag:s0] =	ssyncset.done @!p0 $0x0  }
0x6c: {  	[sflag:s0] =	ssyncadd.s32 @!p0 s1  }
0x6d: {  	[bflag:$0x3] =	sbarrier.arrive $0xFFFF  }
0x6e: {  	_ =	shalt  }

// kernel: sparse-core-data-format-call.3.cloned.1.call-start
scs
called_computation.3_lowered:
.L_overlay_start_0:
0x0: {  	s1 =	sld [smem:$0x3FD9]  }
0x1: {  	s2 =	sld [smem:$0x3FFE];
	_ =	sdelay $0x1  }
0x2: {  	s3 =	srdreg.scid  }
0x3: {  	s0 =	sand.u32 $0x1, s3  }
0x4: {  	s17 =	sshll.u32 s0, $0xA;
	s1 =	sadd.s32 s2, s1  }
0x5: {  	s1 =	sadd.s32 s1, s17  }
0x6: {  	[smem:$0x3EF8] =	sst s1  }
0x7: {  	_ = 	snop  }
0x8: {  	(tm) =	ssettm $0x1  }
0x9: {  	s18 =	sld [smem:$0x3FFB];
	_ =	sdelay $0x3  }
0xa: {  	_ =	strace s18  }
0xb: {  	s1 =	sld [smem:$0x3FFC];
	_ =	sdelay $0x3  }
0xc: {  	_ =	strace s1  }
0xd: {  	s1 =	sld [smem:$0x3FFD];
	_ =	sdelay $0x3  }
0xe: {  	_ =	strace s1  }
0xf: {  	_ =	strace $0x8FFFFFFF  }
0x10: {  	s19 =	sld [smem:$0x3FDB];
	_ =	sdelay $0x1  }
0x11: {  	s20 =	simm.s32 $_scs_section_size  }
0x12: {  	s4 =	simm.s32 $_size__tile_overlayer_lowered;
	s5 =	simm.s32 $_tile_overlayer_lowered  }
0x13: {  	s23 =	simm.s32 $0x1BFF;
	s22 =	sshll.u32 s5, $0x1;
	s1 =	sadd.s32 s20, s19  }
0x14: {  	s6 =	simm.s32 $0x0;
	s21 =	sshll.u32 s4, $0x1;
	s4 =	sadd.s32 s22, s1  }
0x15: {  	[timem:s6], [sflag:s23] =	dma.local [hbm:s4], s21  }
0x16: {  	_ =	swait.ge [sflag:s23], s21  }
0x17: {  	s2 =	ssub.s32 $0x0, s21;
	[sflag:s23] =	ssyncset.done $0x0  }
0x18: {  	[sflag:s23] =	ssyncadd.s32 s2;
	_ =	sdelay $0x1  }
0x19: {  	s24 =	simm.s32 $0x1B8B  }
0x1a: {  	_ =	swait.ge [sflag:s24], $0x1  }
0x1b: {  	[sflag:s24] =	ssyncset.done $0x0  }
0x1c: {  	s26 =	simm.s32 $0x1B8E;
	s25 =	sld [smem:$0x3FFE];
	[sflag:s24] =	ssyncadd.s32 $0xFFFFFFFF  }
0x1d: {  	s27 =	simm.s32 $execute0_lowered;
	[smem:$0x3FD2] =	sst s26  }
0x1e: {  	s4 =	sshll.u32 s27, $0x1;
	_ =	strace $0x80000046;
	[dreg:$0x1] =	wrdreg $0xFFFFFFFF  }
0x1f: {  	s28 =	simm.s32 $_size_execute0_lowered;
	s1 =	sadd.s32 s1, s4;
	[dreg:$0x0] =	wrdreg $0x0  }
0x20: {  	s4 =	sshll.u32 s28, $0x1;
	[dreg:$0x2] =	wrdreg s1  }
0x21: {  	[dreg:$0x3] =	wrdreg s4  }
0x22: {  	[dreg:$0x4] =	wrdreg $0xC0  }
0x23: {  	_ =	task [dreg:s6], $0x5FFFF  }
0x24: {  	[dreg:$0x1] =	wrdreg $0xFFFFFFFF  }
0x25: {  	[dreg:$0x0] =	wrdreg $0x60  }
0x26: {  	[dreg:$0x2] =	wrdreg s25  }
0x27: {  	[dreg:$0x3] =	wrdreg $0xA  }
0x28: {  	_ =	task.clear_ibuf [dreg:s6], $0x4FFFF;
	_ =	strace $0x90000046  }
0x29: {  	s29 =	simm.s32 $0xA;
	_ =	strace $0x80000048  }
0x2a: {  	_ =	swait.ge [sflag:s29], $0x1  }
0x2b: {  	[sflag:s29] =	ssyncadd.s32 $0xFFFFFFFF  }
0x2c: {  	_ =	strace $0x90000048  }
0x2d: {  	_ =	sfence  }
0x2e: {  	s30 =	sld [smem:$0x0];
	_ =	sdelay $0x2  }
0x2f: {  	s31 =	sshll.u32 s3, $0xD;
	s3 =	sshrl.u32 s3, $0x2  }
0x30: {  	s2 =	sand.u32 $0x4000, s31;
	s1 =	sadd.s32 s3, s30  }
0x31: {  	s0 =	sor.u32 s2, s0;
	s1 =	sshll.u32 s1, $0x11  }
0x32: {  	s0 =	sor.u32 s1, s0  }
0x33: {  	s0 =	sadd.s32 $0x8F2B, s0  }
0x34: {  	[sflag:s0] =	ssyncadd.remote.s32 $0x1  }
0x35: {  	_ =	sfence.sel $0xFFFF  }
0x36: {  	[dreg:$0x0] =	wrdreg $0xFFFFFFFF;
	(pc) =	sbr.abs _section_cstart, $3  }
0x37: {  	[dreg:$0x1] =	wrdreg $0xFFFFFFFF  }
0x38: {  	_ =	task.clear_ibuf [dreg:s6], $0x2FFFF;
	_ =	strace $0x9FFFFFFF  }
0x39: {  	(tm) =	ssettm $0x7FFFFFFF  }
tec
execute0_lowered:
.L_overlay_start_1:
0x0: {  	(tag) =	ssettag $0x1  }
0x1: {  	s0 =	srdreg.scid;
	s3 =	rddreg [dreg:$0x0];
	s5 =	simm.s32 $0x1  }
0x2: {  	s7 =	simm.s32 $0x2;
	s15 =	simm.s32 $0x0;
	p0 =	por $0x0, $0x0  }
0x3: {  	s8 =	simm.s32 $0x1000;
	s13 =	simm.s32 $0x0;
	s1 =	sshll.u32 s0, $0x7  }
0x4: {  	s14 =	simm.s32 $0x0;
	s9 =	simm.s32 $0x0;
	s1 =	sand.u32 $0x80, s1  }
0x5: {  	s0 =	rddreg [dreg:$0x1];
	_ =	strace $0x80000047;
	s6 =	ssub.s32 $0x200, s1  }
.Ltmp0:
0x6: {  	s2 =	sadd.s32 $0x47C00, s3;
	s31 =	sshrl.u32 s6, $0x7;
	(pc) =	sbr.rel .LBB1_1-.Ltmp0, $4  }
0x7: {  	s4 =	sadd.s32 $0x147C00, s3;
	s6 =	sshrl.u32 s6, $0x8;
	s3 =	sand.u32 $0x1, s31  }
0x8: {  	s11 =	stileid.u32;
	[sflag:s5] =	ssyncpa.u1 $0x0;
	s6 =	sadd.s32 s6, s3  }
0x9: {  	s12 =	simm.s32 $0x0;
	[sflag:s7] =	ssyncpa.u1 $0x0;
	s6 =	sshll.u32 s6, $0x3  }
0xa: {  	s10 =	smov.u32 s1;
	s3 =	stileid.u32;
	s7 =	sor.u32 $0x1, s6  }
.LBB1_4:
0xb: {  	v5 =	vld [tilespmem:s18+$0xFFFFFFD0];
	[tilespmem:s19+$0x2040 ss:$0x81] =	vst.msk $0xffff, v1  }
0xc: {  	v58 =	vld [tilespmem:s18+$0xFFFFFFE0];
	[tilespmem:s19+$0x2850 ss:$0x81] =	vst.msk $0xffff, v2  }
0xd: {  	s20 =	sshra.s32 s20, $0x2;
	v59 =	vld [tilespmem:s18+$0xFFFFFFF0];
	[tilespmem:s19+$0x3060 ss:$0x81] =	vst.msk $0xffff, v3  }
0xe: {  	v60 =	vld [tilespmem:s18+$0x0];
	[tilespmem:s19+$0x0 ss:$0x81] =	vst.msk $0xffff, v0;
	s17 =	sadd.s32 s20, s17  }
0xf: {  	v61 =	vld [tilespmem:s18+$0x10];
	s25 =	sshll.u32 s15, $0x9;
	[tilespmem:s17+$0x3870 ss:$0x81] =	vst.msk $0xffff, v4  }
0x10: {  	s26 =	sshll.u32 s13, $0x3;
	v62 =	vld [tilespmem:s18+$0x20];
	s27 =	sshll.u32 s15, $0x7;
	s30 =	sand.u32 $0x78, s13;
	[tilespmem:s17+$0x810 ss:$0x81] =	vst.msk $0xffff, v5  }
0x11: {  	v63 =	vld [tilespmem:s18+$0xFFFFFFC0];
	s14 =	sshll.u32 s14, $0x10;
	s19 =	sand.u32 $0x7F000, s25;
	s20 =	sand.u32 $0x7FC00, s26;
	[tilespmem:s17+$0x1020 ss:$0x81] =	vst.msk $0xffff, v58  }
0x12: {  	s29 =	sand.u32 $0x200, s27;
	s15 =	sand.u32 $0x180, s27;
	s28 =	sadd.s32 s20, s19;
	[tilespmem:s17+$0x1830 ss:$0x81] =	vst.msk $0xffff, v59  }
0x13: {  	s31 =	sand.u32 $0x7, s13;
	s15 =	sor.u32 s30, s15;
	s18 =	sor.u32 s29, s28;
	[tilespmem:s17+$0x2040 ss:$0x81] =	vst.msk $0xffff, v60  }
0x14: {  	s14 =	sadd.s32 s4, s14;
	s15 =	sshrl.u32 s15, $0x3;
	s18 =	sshrl.u32 s18, $0x3;
	[tilespmem:s17+$0x2850 ss:$0x81] =	vst.msk $0xffff, v61  }
0x15: {  	s13 =	sshll.u32 s31, $0x12;
	s14 =	sadd.s32 s15, s14;
	[tilespmem:s17+$0x3060 ss:$0x81] =	vst.msk $0xffff, v62;
	s18 =	sand.u32 $0xFFC0, s18  }
0x16: {  	s13 =	sor.u32 $0x400, s13;
	[tilespmem:s17+$0x0 ss:$0x81] =	vst.msk $0xffff, v63;
	s14 =	sadd.s32 s18, s14  }
0x17: {  	[hbm4b:s14+s13] =	stream.strided.scatter [tilespmem:s16], [sflag:$0x2], $0x4000, s8, s13, $0x20;
	[tilespmem:$0x10100] =	vst v63  }
.LBB1_5:
0x18: {  	s16 =	sadd.s32 $0x80, s9  }
0x19: {  	s13 =	sadd.s32 $0x100, s10;
	s17 =	smov.u32 s10;
	p2 =	sgt.s32 s16, $0x3FF  }
0x1a: {  	s17 =	smov.u32 @p2 s13  }
0x1b: {  	s19 =	smov.u32 s11;
	s13 =	sadd.s32 $0x10, s11;
	p3 =	sgt.s32 s17, $0x1FF  }
0x1c: {  	s19 =	smov.u32 @p3 s13  }
0x1d: {  	s16 =	simm.s32 @p2 $0x0;
	p2 =	sgt.s32 s19, $0xF  }
0x1e: {  	p1 =	slt.u32 s12, $0x2;
	s19 =	smov.u32 @p2 s3;
	p2 =	sne.s32 s12, s7  }
.Ltmp1:
0x1f: {  	s18 =	simm.s32 @!p1 $0x2;
	(pc) =	sbr.rel @!p2 .LBB1_6-.Ltmp1, $4  }
0x20: {  	s15 =	smov.u32 s9;
	s14 =	smov.u32 s11;
	_ =	swait.ge @!p1 [sflag:s18], $0x4000  }
0x21: {  	p0 =	por !p0, !p0;
	[sflag:s18] =	ssyncset.done @!p1 $0x0;
	s9 =	smov.u32 s16  }
0x22: {  	s17 =	smov.u32 @p3 s1;
	s13 =	smov.u32 s10;
	[sflag:s18] =	ssyncadd.s32 @!p1 $0xFFFFC000  }
0x23: {  	s10 =	smov.u32 s17;
	s12 =	sadd.s32 $0x1, s12;
	s11 =	smov.u32 s19  }
.LBB1_1:
0x24: {  	p1 =	sge.u32 s12, s6  }
0x25: {  	s31 =	sadd.s32 $0xFFFFFFFF, s12;
	s16 =	sshll.u32 @!p1 s10, $0x7  }
0x26: {  	s17 =	sxor.u32 @!p1 $0xFFFFFFFF, s12;
	s18 =	sand.u32 @!p1 $0x78, s9;
	s19 =	sand.u32 @!p1 $0x380, s16  }
0x27: {  	s17 =	sshll.u32 @!p1 s17, $0xE;
	s18 =	sor.u32 @!p1 s18, s19;
	s19 =	sshll.u32 @!p1 s11, $0x10  }
0x28: {  	s16 =	sand.u32 @!p1 $0xFC00, s16;
	s18 =	sshrl.u32 @!p1 s18, $0x3;
	s19 =	sadd.s32 @!p1 s2, s19  }
0x29: {  	s16 =	sadd.s32 @!p1 s9, s16;
	s18 =	sadd.s32 @!p1 s18, s19;
	s19 =	sand.u32 @!p1 $0x7, s9  }
0x2a: {  	s17 =	sand.u32 @!p1 $0x4000, s17;
	s16 =	sand.u32 @!p1 $0xFF80, s16;
	s19 =	sshll.u32 @!p1 s19, $0x12  }
0x2b: {  	s16 =	sadd.s32 @!p1 s16, s18;
	s18 =	sor.u32 @!p1 $0x400, s19;
	s19 =	simm.s32 @!p1 $0x2000  }
0x2c: {  	[tilespmem:s17], [sflag:$0x1] =	stream.strided.gather @!p1 [hbm4b:s16+s18], $0x4000, s19, s18, $0x38;
	[tilespmem:$0x10100] =	vst v63  }
0x2d: {  	p1 =	sge.u32 s31, s6  }
.Ltmp2:
0x2e: {  	_ = 	snop;
	(pc) =	sbr.rel @p1 .LBB1_5-.Ltmp2, $1  }
0x2f: {  	_ =	sdelay $0x3  }
0x30: {  	s16 =	simm.s32 $0x1  }
0x31: {  	_ =	swait.ge [sflag:s5], $0x4000;
	s16 =	simm.s32 @!p0 $0x0  }
0x32: {  	[sflag:s5] =	ssyncset.done $0x0;
	s17 =	sshll.u32 s16, $0xE  }
0x33: {  	[sflag:s5] =	ssyncadd.s32 $0xFFFFC000;
	s18 =	sor.u32 $0x40, s17  }
0x34: {  	s16 =	smul.u32 $0x10200, s16;
	v0 =	vld [tilespmem:s18+$0x30]  }
0x35: {  	v3 =	vld [tilespmem:s18+$0xFFFFFFD0]  }
0x36: {  	s16 =	sshrl.u32 s16, $0x2;
	v4 =	vld [tilespmem:s18+$0xFFFFFFE0]  }
0x37: {  	v5 =	vld [tilespmem:s18+$0xFFFFFFF0];
	s17 =	sor.u32 $0x8000, s16  }
0x38: {  	s31 =	sand.u32 $0x1, s12;
	v1 =	vld [tilespmem:s18+$0x0];
	s19 =	sadd.s32 $0x0, s17  }
0x39: {  	v2 =	vld [tilespmem:s18+$0x10];
	s16 =	smul.u32 $0x10200, s31;
	[tilespmem:s19+$0x3870 ss:$0x81] =	vst.msk $0xffff, v0  }
0x3a: {  	[tilespmem:s19+$0x810 ss:$0x81] =	vst.msk $0xffff, v3;
	v3 =	vld [tilespmem:s18+$0x20]  }
0x3b: {  	s16 =	sshrl.u32 s16, $0x2;
	v0 =	vld [tilespmem:s18+$0xFFFFFFC0];
	[tilespmem:s19+$0x1020 ss:$0x81] =	vst.msk $0xffff, v4;
	s18 =	sadd.s32 $0x80, s18  }
0x3c: {  	s20 =	simm.s32 $0x4;
	s21 =	simm.s32 $0x8;
	s16 =	sor.u32 $0x8000, s16;
	[tilespmem:s19+$0x1830 ss:$0x81] =	vst.msk $0xffff, v5;
	v4 =	vld [tilespmem:s18+$0x30]  }
.LBB1_3:
0x3d: {  	p1 =	sne.s32 s21, $0x1FC;
	v5 =	vld [tilespmem:s18+$0xFFFFFFD0];
	[tilespmem:s19+$0x2040 ss:$0x81] =	vst.msk $0xffff, v1  }
0x3e: {  	v6 =	vld [tilespmem:s18+$0xFFFFFFE0];
	[tilespmem:s19+$0x2850 ss:$0x81] =	vst.msk $0xffff, v2  }
0x3f: {  	s22 =	sshra.s32 s20, $0x2;
	s20 =	smov.u32 s21;
	v7 =	vld [tilespmem:s18+$0xFFFFFFF0];
	[tilespmem:s19+$0x3060 ss:$0x81] =	vst.msk $0xffff, v3  }
.Ltmp3:
0x40: {  	v1 =	vld [tilespmem:s18+$0x0];
	[tilespmem:s19+$0x0 ss:$0x81] =	vst.msk $0xffff, v0;
	s19 =	sadd.s32 s22, s17;
	(pc) =	sbr.rel @p1 .LBB1_3-.Ltmp3, $4  }
0x41: {  	v2 =	vld [tilespmem:s18+$0x10];
	[tilespmem:s19+$0x3870 ss:$0x81] =	vst.msk $0xffff, v4  }
0x42: {  	[tilespmem:s19+$0x810 ss:$0x81] =	vst.msk $0xffff, v5;
	v3 =	vld [tilespmem:s18+$0x20]  }
0x43: {  	v0 =	vld [tilespmem:s18+$0xFFFFFFC0];
	[tilespmem:s19+$0x1020 ss:$0x81] =	vst.msk $0xffff, v6;
	s18 =	sadd.s32 $0x80, s18  }
0x44: {  	s21 =	sadd.s32 $0x4, s21;
	v4 =	vld [tilespmem:s18+$0x30];
	[tilespmem:s19+$0x1830 ss:$0x81] =	vst.msk $0xffff, v7  }
.Ltmp4:
0x45: {  	_ = 	snop;
	(pc) =	sbr.rel .LBB1_4-.Ltmp4, $1  }
0x46: {  	_ =	sdelay $0x3  }
.LBB1_6:
0x47: {  	_ =	sfence.sel $0x180000  }
0x48: {  	s1 =	simm.s32 $0x1;
	[bflag:$0x0] =	sbarrier.arrive $0xFFFF  }
0x49: {  	s31 =	simm.s32 $0x2;
	[sflag:s1] =	ssyncpa.u1 $0x1  }
0x4a: {  	[sflag:s31] =	ssyncpa.u1 $0x1  }
0x4b: {  	p0 =	sne.s32 s3, $0x0;
	_ =	strace $0x90000047  }
0x4c: {  	s0 =	sadd.s32 @!p0 $0x100000, s0;
	[bflag:$0x2] =	sbarrier.arrive $0xFFFF  }
0x4d: {  	[sflag:s0] =	ssyncadd.tile.s32 @!p0 $0x1;
	_ =	shalt  }
.Lfunc_end1:
_tile_overlayer_lowered:
.L_overlay_start_2:
0x4e: {  	(tag) =	ssettag $0x2  }
0x4f: {  	s0 =	rddreg [dreg:$0x0];
	s2 =	stileid.u32  }
0x50: {  	s1 =	rddreg [dreg:$0x1];
	p0 =	sne.s32 s2, $0x0  }
0x51: {  	s3 =	rddreg [dreg:$0x2];
	[bflag:$0x3] =	sbarrier.arrive $0xFFFF;
	s2 =	simm.s32 @!p0 $0x1C01  }
0x52: {  	[timem:s3], [sflag:s2] =	dma.local @!p0 [hbm:s0], s1  }
0x53: {  	s0 =	simm.s32 @!p0 $0x1  }
0x54: {  	_ =	swait.ge @!p0 [sflag:s0], s1  }
0x55: {  	s1 =	ssub.s32 @!p0 $0x0, s1;
	[sflag:s0] =	ssyncset.done @!p0 $0x0  }
0x56: {  	[sflag:s0] =	ssyncadd.s32 @!p0 s1  }
0x57: {  	[bflag:$0x3] =	sbarrier.arrive $0xFFFF  }
0x58: {  	_ =	shalt  }

// kernel: sparse-core-data-format-call.cloned.1.call-start
scs
called_computation_lowered:
.L_overlay_start_0:
0x0: {  	s1 =	sld [smem:$0x3FD9]  }
0x1: {  	s2 =	sld [smem:$0x3FFE];
	_ =	sdelay $0x1  }
0x2: {  	s3 =	srdreg.scid  }
0x3: {  	s0 =	sand.u32 $0x1, s3  }
0x4: {  	s17 =	sshll.u32 s0, $0xA;
	s1 =	sadd.s32 s2, s1  }
0x5: {  	s1 =	sadd.s32 s1, s17  }
0x6: {  	[smem:$0x3EF8] =	sst s1  }
0x7: {  	_ = 	snop  }
0x8: {  	(tm) =	ssettm $0x1  }
0x9: {  	s18 =	sld [smem:$0x3FFB];
	_ =	sdelay $0x3  }
0xa: {  	_ =	strace s18  }
0xb: {  	s1 =	sld [smem:$0x3FFC];
	_ =	sdelay $0x3  }
0xc: {  	_ =	strace s1  }
0xd: {  	s1 =	sld [smem:$0x3FFD];
	_ =	sdelay $0x3  }
0xe: {  	_ =	strace s1  }
0xf: {  	_ =	strace $0x8FFFFFFF  }
0x10: {  	s19 =	sld [smem:$0x3FDB];
	_ =	sdelay $0x1  }
0x11: {  	s20 =	simm.s32 $_scs_section_size  }
0x12: {  	s4 =	simm.s32 $_size__tile_overlayer_lowered;
	s5 =	simm.s32 $_tile_overlayer_lowered  }
0x13: {  	s23 =	simm.s32 $0x1BFF;
	s22 =	sshll.u32 s5, $0x1;
	s1 =	sadd.s32 s20, s19  }
0x14: {  	s6 =	simm.s32 $0x0;
	s21 =	sshll.u32 s4, $0x1;
	s4 =	sadd.s32 s22, s1  }
0x15: {  	[timem:s6], [sflag:s23] =	dma.local [hbm:s4], s21  }
0x16: {  	_ =	swait.ge [sflag:s23], s21  }
0x17: {  	s2 =	ssub.s32 $0x0, s21;
	[sflag:s23] =	ssyncset.done $0x0  }
0x18: {  	[sflag:s23] =	ssyncadd.s32 s2;
	_ =	sdelay $0x1  }
0x19: {  	s24 =	simm.s32 $0x1B8B  }
0x1a: {  	_ =	swait.ge [sflag:s24], $0x1  }
0x1b: {  	[sflag:s24] =	ssyncset.done $0x0  }
0x1c: {  	s26 =	simm.s32 $0x1B8E;
	s25 =	sld [smem:$0x3FFE];
	[sflag:s24] =	ssyncadd.s32 $0xFFFFFFFF  }
0x1d: {  	s27 =	simm.s32 $execute0_lowered;
	[smem:$0x3FD2] =	sst s26  }
0x1e: {  	s4 =	sshll.u32 s27, $0x1;
	_ =	strace $0x8000004C;
	[dreg:$0x1] =	wrdreg $0xFFFFFFFF  }
0x1f: {  	s28 =	simm.s32 $_size_execute0_lowered;
	s1 =	sadd.s32 s1, s4;
	[dreg:$0x0] =	wrdreg $0x0  }
0x20: {  	s4 =	sshll.u32 s28, $0x1;
	[dreg:$0x2] =	wrdreg s1  }
0x21: {  	[dreg:$0x3] =	wrdreg s4  }
0x22: {  	[dreg:$0x4] =	wrdreg $0xC0  }
0x23: {  	_ =	task [dreg:s6], $0x5FFFF  }
0x24: {  	[dreg:$0x1] =	wrdreg $0xFFFFFFFF  }
0x25: {  	[dreg:$0x0] =	wrdreg $0x60  }
0x26: {  	[dreg:$0x2] =	wrdreg s25  }
0x27: {  	[dreg:$0x3] =	wrdreg $0x9  }
0x28: {  	_ =	task.clear_ibuf [dreg:s6], $0x4FFFF;
	_ =	strace $0x9000004C  }
0x29: {  	s29 =	simm.s32 $0x9;
	_ =	strace $0x8000004E  }
0x2a: {  	_ =	swait.ge [sflag:s29], $0x1  }
0x2b: {  	[sflag:s29] =	ssyncadd.s32 $0xFFFFFFFF  }
0x2c: {  	_ =	strace $0x9000004E  }
0x2d: {  	_ =	sfence  }
0x2e: {  	s30 =	sld [smem:$0x0];
	_ =	sdelay $0x2  }
0x2f: {  	s31 =	sshll.u32 s3, $0xD;
	s3 =	sshrl.u32 s3, $0x2  }
0x30: {  	s2 =	sand.u32 $0x4000, s31;
	s1 =	sadd.s32 s3, s30  }
0x31: {  	s0 =	sor.u32 s2, s0;
	s1 =	sshll.u32 s1, $0x11  }
0x32: {  	s0 =	sor.u32 s1, s0  }
0x33: {  	s0 =	sadd.s32 $0x8F2B, s0  }
0x34: {  	[sflag:s0] =	ssyncadd.remote.s32 $0x1  }
0x35: {  	_ =	sfence.sel $0xFFFF  }
0x36: {  	[dreg:$0x0] =	wrdreg $0xFFFFFFFF;
	(pc) =	sbr.abs _section_cstart, $3  }
0x37: {  	[dreg:$0x1] =	wrdreg $0xFFFFFFFF  }
0x38: {  	_ =	task.clear_ibuf [dreg:s6], $0x2FFFF;
	_ =	strace $0x9FFFFFFF  }
0x39: {  	(tm) =	ssettm $0x7FFFFFFF  }
tec
execute0_lowered:
.L_overlay_start_1:
0x0: {  	(tag) =	ssettag $0x1  }
0x1: {  	s0 =	srdreg.scid;
	s3 =	rddreg [dreg:$0x0];
	s5 =	simm.s32 $0x1  }
0x2: {  	s7 =	simm.s32 $0x2;
	s15 =	simm.s32 $0x0;
	s8 =	simm.s32 $0x800  }
0x3: {  	s14 =	simm.s32 $0x0;
	s17 =	simm.s32 $0x0;
	s16 =	simm.s32 $0x0  }
0x4: {  	s9 =	simm.s32 $0x0;
	s10 =	simm.s32 $0x0;
	s1 =	sshll.u32 s0, $0x1  }
0x5: {  	s12 =	stileid.u32;
	s0 =	rddreg [dreg:$0x1];
	s1 =	sand.u32 $0x2, s1  }
.Ltmp0:
0x6: {  	_ =	strace $0x8000004D;
	s6 =	ssub.s32 $0x20, s1;
	(pc) =	sbr.rel .LBB1_1-.Ltmp0, $4  }
0x7: {  	s2 =	sadd.s32 $0x57A000, s3;
	s4 =	sadd.s32 $0x47000, s3;
	s31 =	sshrl.u32 s6, $0x1  }
0x8: {  	[sflag:s5] =	ssyncpa.u1 $0x0;
	s6 =	sand.u32 $0x2, s6;
	s3 =	sand.u32 $0x1E, s31  }
0x9: {  	s13 =	simm.s32 $0x0;
	[sflag:s7] =	ssyncpa.u1 $0x0;
	s6 =	sadd.s32 s6, s3  }
0xa: {  	s11 =	smov.u32 s1;
	s3 =	stileid.u32;
	s7 =	sor.u32 $0x1, s6  }
.LBB1_7:
0xb: {  	s18 =	sadd.s32 $0x100, s9  }
0xc: {  	s14 =	sadd.s32 $0x40, s10;
	s19 =	smov.u32 s10;
	p1 =	sgt.s32 s18, $0x1FF  }
0xd: {  	s19 =	smov.u32 @p1 s14  }
0xe: {  	s20 =	smov.u32 s11;
	s14 =	sadd.s32 $0x4, s11;
	p2 =	sgt.s32 s19, $0x3F  }
0xf: {  	s20 =	smov.u32 @p2 s14  }
0x10: {  	s21 =	smov.u32 s12;
	s14 =	sadd.s32 $0x10, s12;
	p3 =	sgt.s32 s20, $0x1F  }
0x11: {  	s21 =	smov.u32 @p3 s14  }
0x12: {  	p0 =	slt.u32 s13, $0x2;
	s18 =	simm.s32 @p1 $0x0;
	p1 =	sgt.s32 s21, $0xF  }
0x13: {  	s22 =	simm.s32 @!p0 $0x2;
	s21 =	smov.u32 @p1 s3;
	p1 =	sne.s32 s13, s7  }
.Ltmp1:
0x14: {  	s15 =	smov.u32 s9;
	_ =	swait.ge @!p0 [sflag:s22], $0x4000;
	(pc) =	sbr.rel @!p1 .LBB1_8-.Ltmp1, $4  }
0x15: {  	s17 =	smov.u32 s11;
	s16 =	smov.u32 s12;
	[sflag:s22] =	ssyncset.done @!p0 $0x0  }
0x16: {  	s9 =	smov.u32 s18;
	s19 =	simm.s32 @p2 $0x0;
	[sflag:s22] =	ssyncadd.s32 @!p0 $0xFFFFC000  }
0x17: {  	s20 =	smov.u32 @p3 s1;
	s14 =	smov.u32 s10;
	s10 =	smov.u32 s19  }
0x18: {  	s11 =	smov.u32 s20;
	s13 =	sadd.s32 $0x1, s13;
	s12 =	smov.u32 s21  }
.LBB1_1:
0x19: {  	p0 =	sge.u32 s13, s6  }
0x1a: {  	s18 =	sshll.u32 @!p0 s10, $0x9;
	s19 =	sshll.u32 @!p0 s9, $0x4  }
0x1b: {  	s20 =	sshll.u32 @!p0 s10, $0x7;
	s18 =	sand.u32 @!p0 $0x6000, s18;
	s19 =	sand.u32 @!p0 $0x7800, s19  }
0x1c: {  	s31 =	sadd.s32 $0xFFFFFFFF, s13;
	s18 =	sadd.s32 @!p0 s18, s19;
	s19 =	sand.u32 @!p0 $0x600, s20  }
0x1d: {  	s21 =	sxor.u32 @!p0 $0xFFFFFFFF, s13;
	s18 =	sor.u32 @!p0 s19, s18;
	s19 =	sshll.u32 @!p0 s9, $0x1  }
0x1e: {  	s22 =	sshll.u32 @!p0 s12, $0x10;
	s20 =	sand.u32 @!p0 $0x100, s20;
	s19 =	sand.u32 @!p0 $0xF0, s19  }
0x1f: {  	s22 =	sadd.s32 @!p0 s2, s22;
	s19 =	sor.u32 @!p0 s20, s19;
	s20 =	sshll.u32 @!p0 s11, $0xB  }
0x20: {  	s18 =	sshrl.u32 @!p0 s18, $0x4;
	s19 =	sshrl.u32 @!p0 s19, $0x4;
	s20 =	sadd.s32 @!p0 s20, s22  }
0x21: {  	s18 =	sand.u32 @!p0 $0x7E0, s18;
	s19 =	sadd.s32 @!p0 s19, s20;
	s20 =	sand.u32 @!p0 $0x7, s9  }
0x22: {  	s18 =	sadd.s32 @!p0 s18, s19;
	s19 =	sshll.u32 @!p0 s21, $0xE;
	s20 =	sshll.u32 @!p0 s20, $0x12  }
0x23: {  	s21 =	simm.s32 @!p0 $0x1000;
	s19 =	sand.u32 @!p0 $0x4000, s19;
	s20 =	sor.u32 @!p0 $0x800, s20  }
0x24: {  	[tilespmem:s19], [sflag:$0x1] =	stream.strided.gather @!p0 [hbm4b:s18+s20], $0x4000, s21, s20, $0x38;
	[tilespmem:$0x10200] =	vst v63  }
0x25: {  	p0 =	sge.u32 s31, s6  }
.Ltmp2:
0x26: {  	_ = 	snop;
	(pc) =	sbr.rel @p0 .LBB1_7-.Ltmp2, $1  }
0x27: {  	_ =	sdelay $0x3  }
0x28: {  	s18 =	sand.u32 $0x1, s13  }
0x29: {  	_ =	swait.ge [sflag:s5], $0x4000;
	s19 =	smul.u32 $0x10400, s18  }
0x2a: {  	[sflag:s5] =	ssyncset.done $0x0  }
0x2b: {  	[sflag:s5] =	ssyncadd.s32 $0xFFFFC000;
	s20 =	sshrl.u32 s19, $0x2  }
0x2c: {  	s19 =	sshll.u32 s18, $0xE;
	s18 =	sor.u32 $0x8000, s20;
	s20 =	simm.s32 $0x0  }
.LBB1_3:
0x2d: {  	s21 =	sshll.u32 s20, $0x7  }
0x2e: {  	s22 =	sshll.u32 s20, $0x6;
	s21 =	sand.u32 $0x1800, s21  }
0x2f: {  	s22 =	sand.u32 $0x380, s22;
	s21 =	sadd.s32 s21, s19  }
0x30: {  	s24 =	sadd.s32 s22, s21  }
0x31: {  	s23 =	sshll.u32 s20, $0x1;
	v0 =	vmov s24  }
0x32: {  	p0 =	por $0x1, $0x1;
	s31 =	sor.u32 $0x2, s23  }
0x33: {  	s21 =	sshrl.u32 s23, $0x1;
	s22 =	sshrl.u32 s31, $0x1;
	s23 =	simm.s32 $0x0  }
.LBB1_4:
0x34: {  	s24 =	sshll.u32 s23, $0x3  }
0x35: {  	s24 =	sand.u32 $0x3FFFFFF8, s24  }
0x36: {  	v1 =	vld.idx.msk [tilespmem:v0+s24+$0x0 ss:$0x1], $0xffff  }
0x37: {  	v2 =	vld.idx.msk [tilespmem:v0+s24+$0x2000 ss:$0x1], $0xffff  }
0x38: {  	v3 =	vld.idx.msk [tilespmem:v0+s24+$0x10 ss:$0x1], $0xffff  }
0x39: {  	s29 =	smul.u32 $0x104, s23;
	v4 =	vld.idx.msk [tilespmem:v0+s24+$0x2010 ss:$0x1], $0xffff  }
0x3a: {  	v5 =	vld.idx.msk [tilespmem:v0+s24+$0x20 ss:$0x1], $0xffff  }
0x3b: {  	s23 =	sshra.s32 s29, $0x2;
	v6 =	vld.idx.msk [tilespmem:v0+s24+$0x2020 ss:$0x1], $0xffff  }
0x3c: {  	v9 =	vld.idx.msk [tilespmem:v0+s24+$0x30 ss:$0x1], $0xffff;
	s23 =	sadd.s32 s23, s18;
	v7 =	vunpack.i.l.s16.s32 v1;
	v8 =	vunpack.i.l.s16.s32 v2  }
0x3d: {  	v51 =	vld.idx.msk [tilespmem:v0+s24+$0x2030 ss:$0x1], $0xffff;
	s25 =	sadd.s32 s21, s23;
	v1 =	vunpack.i.u.s16.s32 v1;
	v2 =	vunpack.i.u.s16.s32 v2;
	v7 =	vpack.i.b32.b16 v8, v7  }
0x3e: {  	v10 =	vld.idx.msk [tilespmem:v0+s24+$0x40 ss:$0x1], $0xffff;
	s30 =	sadd.s32 s22, s23;
	s26 =	sadd.s32 $0x410, s23;
	v52 =	vunpack.i.l.s16.s32 v4;
	v1 =	vpack.i.b32.b16 v2, v1;
	v2 =	vunpack.i.l.s16.s32 v3;
	[tilespmem:s25+$0x0 ss:$0x41] =	vst.msk $0xffff, v7  }
0x3f: {  	v53 =	vld.idx.msk [tilespmem:v0+s24+$0x2040 ss:$0x1], $0xffff;
	s31 =	sadd.s32 s21, s26;
	v2 =	vpack.i.b32.b16 v52, v2;
	[tilespmem:s30+$0x0 ss:$0x41] =	vst.msk $0xffff, v1;
	v1 =	vunpack.i.u.s16.s32 v3;
	v3 =	vunpack.i.u.s16.s32 v4  }
0x40: {  	v54 =	vld.idx.msk [tilespmem:v0+s24+$0x50 ss:$0x1], $0xffff;
	s27 =	sadd.s32 $0x820, s23;
	s26 =	sadd.s32 s22, s26;
	[tilespmem:s31+$0x0 ss:$0x41] =	vst.msk $0xffff, v2;
	v2 =	vunpack.i.l.s16.s32 v5;
	v1 =	vpack.i.b32.b16 v3, v1;
	v3 =	vunpack.i.l.s16.s32 v6  }
0x41: {  	s28 =	sadd.s32 s21, s27;
	v55 =	vunpack.i.u.s16.s32 v6;
	[tilespmem:s26+$0x0 ss:$0x41] =	vst.msk $0xffff, v1;
	v1 =	vunpack.i.u.s16.s32 v5;
	v2 =	vpack.i.b32.b16 v3, v2;
	v3 =	vld.idx.msk [tilespmem:v0+s24+$0x2050 ss:$0x1], $0xffff  }
0x42: {  	v57 =	vld.idx.msk [tilespmem:v0+s24+$0x60 ss:$0x1], $0xffff;
	s29 =	sadd.s32 s22, s27;
	v56 =	vunpack.i.l.s16.s32 v51;
	s30 =	sadd.s32 $0xC30, s23;
	[tilespmem:s28+$0x0 ss:$0x41] =	vst.msk $0xffff, v2;
	v1 =	vpack.i.b32.b16 v55, v1;
	v2 =	vunpack.i.l.s16.s32 v9  }
0x43: {  	v58 =	vld.idx.msk [tilespmem:v0+s24+$0x2060 ss:$0x1], $0xffff;
	v8 =	vunpack.i.u.s16.s32 v51;
	s31 =	sadd.s32 s21, s30;
	[tilespmem:s29+$0x0 ss:$0x41] =	vst.msk $0xffff, v1;
	v1 =	vunpack.i.u.s16.s32 v9;
	v2 =	vpack.i.b32.b16 v56, v2  }
0x44: {  	v60 =	vld.idx.msk [tilespmem:v0+s24+$0x70 ss:$0x1], $0xffff;
	v59 =	vunpack.i.l.s16.s32 v53;
	s27 =	sadd.s32 s22, s30;
	s28 =	sadd.s32 $0x1040, s23;
	[tilespmem:s31+$0x0 ss:$0x41] =	vst.msk $0xffff, v2;
	v1 =	vpack.i.b32.b16 v8, v1;
	v2 =	vunpack.i.l.s16.s32 v10  }
0x45: {  	v61 =	vld.idx.msk [tilespmem:v0+s24+$0x2070 ss:$0x1], $0xffff;
	v4 =	vunpack.i.u.s16.s32 v53;
	s29 =	sadd.s32 s21, s28;
	[tilespmem:s27+$0x0 ss:$0x41] =	vst.msk $0xffff, v1;
	v1 =	vunpack.i.u.s16.s32 v10;
	v2 =	vpack.i.b32.b16 v59, v2  }
0x46: {  	s30 =	sadd.s32 s22, s28;
	s31 =	sadd.s32 $0x1450, s23;
	[tilespmem:s29+$0x0 ss:$0x41] =	vst.msk $0xffff, v2;
	v1 =	vpack.i.b32.b16 v4, v1;
	v2 =	vunpack.i.l.s16.s32 v54;
	v62 =	vunpack.i.l.s16.s32 v3  }
0x47: {  	s26 =	sadd.s32 s21, s31;
	v3 =	vunpack.i.u.s16.s32 v3;
	[tilespmem:s30+$0x0 ss:$0x41] =	vst.msk $0xffff, v1;
	v1 =	vpack.i.b32.b16 v62, v2;
	v2 =	vunpack.i.u.s16.s32 v54  }
0x48: {  	p1 =	por p0, p0;
	s28 =	sadd.s32 $0x1860, s23;
	s27 =	sadd.s32 s22, s31;
	[tilespmem:s26+$0x0 ss:$0x41] =	vst.msk $0xffff, v1;
	v1 =	vpack.i.b32.b16 v3, v2;
	v2 =	vunpack.i.l.s16.s32 v57;
	v3 =	vunpack.i.l.s16.s32 v58  }
.Ltmp3:
0x49: {  	s29 =	sadd.s32 s21, s28;
	[tilespmem:s27+$0x0 ss:$0x41] =	vst.msk $0xffff, v1;
	v1 =	vpack.i.b32.b16 v3, v2;
	v2 =	vunpack.i.u.s16.s32 v57;
	v3 =	vunpack.i.u.s16.s32 v58;
	(pc) =	sbr.rel @p1 .LBB1_4-.Ltmp3, $4  }
0x4a: {  	s23 =	sadd.s32 $0x1C70, s23;
	s30 =	sadd.s32 s22, s28;
	[tilespmem:s29+$0x0 ss:$0x41] =	vst.msk $0xffff, v1;
	v1 =	vpack.i.b32.b16 v3, v2;
	v2 =	vunpack.i.l.s16.s32 v60;
	v3 =	vunpack.i.l.s16.s32 v61  }
0x4b: {  	v63 =	vunpack.i.u.s16.s32 v61;
	s31 =	sadd.s32 s21, s23;
	[tilespmem:s30+$0x0 ss:$0x41] =	vst.msk $0xffff, v1;
	v1 =	vunpack.i.u.s16.s32 v60;
	v2 =	vpack.i.b32.b16 v3, v2  }
0x4c: {  	s23 =	sadd.s32 s22, s23;
	[tilespmem:s31+$0x0 ss:$0x41] =	vst.msk $0xffff, v2;
	v1 =	vpack.i.b32.b16 v63, v1  }
0x4d: {  	p0 =	por $0x0, $0x0;
	[tilespmem:s23+$0x0 ss:$0x41] =	vst.msk $0xffff, v1;
	s23 =	simm.s32 $0x80  }
0x4e: {  	p0 =	slt.u32 s20, $0x3E  }
.Ltmp4:
0x4f: {  	_ = 	snop;
	(pc) =	sbr.rel @p0 .LBB1_3-.Ltmp4, $3  }
0x50: {  	_ =	sdelay $0x1  }
0x51: {  	s21 =	sadd.s32 $0x2, s20  }
0x52: {  	s20 =	smov.u32 s21  }
0x53: {  	s17 =	sshll.u32 s17, $0x7  }
0x54: {  	s19 =	sshll.u32 s14, $0x4;
	s27 =	sshll.u32 s14, $0x1;
	s16 =	sshll.u32 s16, $0x11  }
0x55: {  	s15 =	sshll.u32 s15, $0x8;
	s20 =	sand.u32 $0x800, s17;
	s19 =	sand.u32 $0x800, s19  }
0x56: {  	s29 =	sshrl.u32 s14, $0x3;
	s17 =	sand.u32 $0x700, s17;
	s19 =	sadd.s32 s20, s19  }
0x57: {  	s30 =	sand.u32 $0x7, s14;
	s28 =	sand.u32 $0x80, s27;
	s17 =	sor.u32 s17, s19  }
.Ltmp5:
0x58: {  	s16 =	sadd.s32 s4, s16;
	s17 =	sor.u32 s28, s17;
	(pc) =	sbr.rel .LBB1_7-.Ltmp5, $4  }
0x59: {  	s15 =	sadd.s32 s15, s16;
	s19 =	sand.u32 $0x7, s29;
	s17 =	sshrl.u32 s17, $0x4  }
0x5a: {  	s14 =	sshll.u32 s30, $0x12;
	s15 =	sadd.s32 s19, s15;
	s31 =	sand.u32 $0xF8, s17  }
0x5b: {  	s14 =	sor.u32 $0x40, s14;
	s15 =	sadd.s32 s31, s15  }
0x5c: {  	[hbm4b:s15+s14] =	stream.strided.scatter [tilespmem:s18], [sflag:$0x2], $0x4000, s8, s14, $0x18;
	[tilespmem:$0x10200] =	vst v63  }
.LBB1_8:
0x5d: {  	_ =	sfence.sel $0x180000  }
0x5e: {  	s1 =	simm.s32 $0x1;
	[bflag:$0x0] =	sbarrier.arrive $0xFFFF  }
0x5f: {  	s31 =	simm.s32 $0x2;
	[sflag:s1] =	ssyncpa.u1 $0x1  }
0x60: {  	[sflag:s31] =	ssyncpa.u1 $0x1  }
0x61: {  	p0 =	sne.s32 s3, $0x0;
	_ =	strace $0x9000004D  }
0x62: {  	s0 =	sadd.s32 @!p0 $0x100000, s0;
	[bflag:$0x2] =	sbarrier.arrive $0xFFFF  }
0x63: {  	[sflag:s0] =	ssyncadd.tile.s32 @!p0 $0x1;
	_ =	shalt  }
.Lfunc_end1:
_tile_overlayer_lowered:
.L_overlay_start_2:
0x64: {  	(tag) =	ssettag $0x2  }
0x65: {  	s0 =	rddreg [dreg:$0x0];
	s2 =	stileid.u32  }
0x66: {  	s1 =	rddreg [dreg:$0x1];
	p0 =	sne.s32 s2, $0x0  }
0x67: {  	s3 =	rddreg [dreg:$0x2];
	[bflag:$0x3] =	sbarrier.arrive $0xFFFF;
	s2 =	simm.s32 @!p0 $0x1C01  }
0x68: {  	[timem:s3], [sflag:s2] =	dma.local @!p0 [hbm:s0], s1  }
0x69: {  	s0 =	simm.s32 @!p0 $0x1  }
0x6a: {  	_ =	swait.ge @!p0 [sflag:s0], s1  }
0x6b: {  	s1 =	ssub.s32 @!p0 $0x0, s1;
	[sflag:s0] =	ssyncset.done @!p0 $0x0  }
0x6c: {  	[sflag:s0] =	ssyncadd.s32 @!p0 s1  }
0x6d: {  	[bflag:$0x3] =	sbarrier.arrive $0xFFFF  }
0x6e: {  	_ =	shalt  }

</sc_bundles>
